<compile_context>
chip_gen: v7x
topology: tpu7x:2x2x1
jax: 0.10.2.dev20260603
libtpu: 0.0.44.dev20260713+nightly
codegen_flags: <defaults>
</compile_context>

<pallas_src>
import functools
import numpy as np
import jax
import jax.numpy as jnp
from jax import lax
from jax.experimental import pallas as pl
from jax.experimental.pallas import tpu as pltpu
from jax.experimental.pallas import tpu_sc as plsc

N_RAYS = 8192
NP_TOT = 2097152
INTERVAL = 0.5
SHIFT = float(np.log(1.0 / (1.0 - 0.01) - 1.0))
LN2 = float(np.log(2.0))
SQRT2 = float(np.sqrt(2.0))
PC = [3.342326871519363e-08, 1.0000030986470902, -0.5000129330593485,
      0.33304812395021915, -0.24911210645484655, 0.206117852396594,
      -0.18627697325290674, 0.11448435452372649]

NW = 32
CH = NP_TOT // NW
NSTAGE = 32
STAGE = CH // NSTAGE
NVEC = STAGE // 16
RPW = N_RAYS // NW

_mesh = plsc.VectorSubcoreMesh(core_axis_name="c", subcore_axis_name="s")
_cparams = pltpu.CompilerParams(needs_layout_passes=False,
                                use_tc_tiling_on_sc=False)


def _logt_of_density(den):
  x = den + jnp.float32(SHIFT)
  e = jnp.exp(x)
  u = jnp.float32(1.0) + e
  bits = plsc.bitcast(u, jnp.int32)
  ei = (bits >> 23) - 127
  m = plsc.bitcast((bits & 0x007FFFFF) | 0x3F800000, jnp.float32)
  adj = m > jnp.float32(SQRT2)
  m2 = jnp.where(adj, m * jnp.float32(0.5), m)
  ef = ei.astype(jnp.float32) + jnp.where(adj, jnp.float32(1.0),
                                          jnp.float32(0.0))
  z = m2 - jnp.float32(1.0)
  p = jnp.float32(PC[7])
  for k in range(6, -1, -1):
    p = p * z + jnp.float32(PC[k])
  lnu = ef * jnp.float32(LN2) + p
  return jnp.float32(-INTERVAL) * lnu


def _sigmoid(v):
  return jnp.float32(1.0) / (jnp.float32(1.0) + jnp.exp(-v))


@functools.partial(
    pl.kernel,
    out_type=jax.ShapeDtypeStruct((NW, 4, N_RAYS), jnp.float32),
    mesh=_mesh,
    scratch_types=[
        pltpu.VMEM((2 * STAGE,), jnp.float32),
        pltpu.VMEM((2 * STAGE,), jnp.int32),
        pltpu.VMEM((2 * STAGE,), jnp.float32),
        pltpu.VMEM((2 * STAGE,), jnp.float32),
        pltpu.VMEM((2 * STAGE,), jnp.float32),
        pltpu.VMEM((N_RAYS,), jnp.float32),
        pltpu.VMEM((N_RAYS,), jnp.float32),
        pltpu.VMEM((N_RAYS,), jnp.float32),
        pltpu.VMEM((N_RAYS,), jnp.float32),
        pltpu.VMEM((64,), jnp.float32),
        pltpu.SemaphoreType.DMA,
    ],
    compiler_params=_cparams,
)
def _phase1(den_hbm, cr_hbm, cg_hbm, cb_hbm, id_hbm, acc_hbm,
            den_v, id_v, cr_v, cg_v, cb_v, s0_v, s1_v, s2_v, r_v, tmp_v, sem):
  wid = lax.axis_index("c") * 16 + lax.axis_index("s")
  base_smp = wid * CH

  iota = lax.iota(jnp.int32, 16)
  zero16 = jnp.zeros((16,), jnp.float32)
  one16 = jnp.ones((16,), jnp.float32)
  m1_16 = jnp.full((16,), -1, jnp.int32)

  def _init(i, _):
    sl = pl.ds(i * 16, 16)
    s0_v[sl] = zero16
    s1_v[sl] = zero16
    s2_v[sl] = zero16
    r_v[sl] = one16
    return 0
  lax.fori_loop(0, N_RAYS // 16, _init, 0)

  def _copies(s, buf):
    off = base_smp + s * STAGE
    dst = pl.ds(buf * STAGE, STAGE)
    src = pl.ds(off, STAGE)
    return [
        pltpu.make_async_copy(den_hbm.at[src], den_v.at[dst], sem),
        pltpu.make_async_copy(id_hbm.at[src], id_v.at[dst], sem),
        pltpu.make_async_copy(cr_hbm.at[src], cr_v.at[dst], sem),
        pltpu.make_async_copy(cg_hbm.at[src], cg_v.at[dst], sem),
        pltpu.make_async_copy(cb_hbm.at[src], cb_v.at[dst], sem),
    ]

  def _starts(s, buf):
    for c in _copies(s, buf):
      c.start()

  def _waits(s, buf):
    for c in _copies(s, buf):
      c.wait()

  _starts(0, 0)

  def _stage(s, carry):
    buf = s % 2
    _waits(s, buf)

    @pl.when(s + 1 < NSTAGE)
    def _():
      _starts(s + 1, (s + 1) % 2)

    dbase = buf * STAGE

    def _vec(v, carry):
      carry_c, carry_b, prev_id = carry
      off = dbase + v * 16
      den = den_v[pl.ds(off, 16)]
      idv = id_v[pl.ds(off, 16)]
      rg0 = cr_v[pl.ds(off, 16)]
      rg1 = cg_v[pl.ds(off, 16)]
      rg2 = cb_v[pl.ds(off, 16)]

      lt = _logt_of_density(den)
      c = plsc.cumsum(lt)
      cglob = c + carry_c
      ex = cglob - lt

      pidg = plsc.load_gather(id_v, [off + jnp.maximum(iota - 1, 0)])
      pid = jnp.where(iota == 0, prev_id, pidg)
      idng = plsc.load_gather(id_v, [off + jnp.minimum(iota + 1, 15)])
      change = idv != pid
      st2 = plsc.cummax(jnp.where(change, iota, m1_16))
      startv = jnp.maximum(st2, 0)
      gidx = jnp.maximum(startv - 1, 0)
      has_bef = startv >= 1
      tmp_v[pl.ds(0, 16)] = cglob
      gbase = plsc.load_gather(tmp_v, [gidx])
      basev = jnp.where(st2 >= 0, jnp.where(has_bef, gbase, carry_c), carry_b)

      texc = jnp.exp(ex - basev)
      tinc = jnp.exp(cglob - basev)
      w = texc - tinc

      wc0 = w * _sigmoid(rg0)
      wc1 = w * _sigmoid(rg1)
      wc2 = w * _sigmoid(rg2)
      cs0 = plsc.cumsum(wc0)
      cs1 = plsc.cumsum(wc1)
      cs2 = plsc.cumsum(wc2)
      tmp_v[pl.ds(16, 16)] = cs0
      tmp_v[pl.ds(32, 16)] = cs1
      tmp_v[pl.ds(48, 16)] = cs2
      ss0 = cs0 - jnp.where(has_bef, plsc.load_gather(tmp_v, [16 + gidx]),
                            zero16)
      ss1 = cs1 - jnp.where(has_bef, plsc.load_gather(tmp_v, [32 + gidx]),
                            zero16)
      ss2 = cs2 - jnp.where(has_bef, plsc.load_gather(tmp_v, [48 + gidx]),
                            zero16)

      maskst = (idng != idv) | (iota == 15)

      plsc.addupdate_scatter(s0_v, [idv], ss0, mask=maskst)
      plsc.addupdate_scatter(s1_v, [idv], ss1, mask=maskst)
      plsc.addupdate_scatter(s2_v, [idv], ss2, mask=maskst)
      plsc.store_scatter(r_v, [idv], tinc, mask=maskst)

      return (jnp.min(cglob), jnp.min(basev), jnp.max(idv))

    return lax.fori_loop(0, NVEC, _vec, carry)

  carry0 = (jnp.float32(0.0), jnp.float32(0.0), jnp.int32(-1))
  lax.fori_loop(0, NSTAGE, _stage, carry0)

  pltpu.sync_copy(s0_v, acc_hbm.at[wid, 0])
  pltpu.sync_copy(s1_v, acc_hbm.at[wid, 1])
  pltpu.sync_copy(s2_v, acc_hbm.at[wid, 2])
  pltpu.sync_copy(r_v, acc_hbm.at[wid, 3])


@functools.partial(
    pl.kernel,
    out_type=jax.ShapeDtypeStruct((3, N_RAYS), jnp.float32),
    mesh=_mesh,
    scratch_types=[
        pltpu.VMEM((NW, 4, RPW), jnp.float32),
        pltpu.VMEM((3, RPW), jnp.float32),
    ],
    compiler_params=_cparams,
)
def _phase2(acc_hbm, out_hbm, acc_v, out_v):
  wid = lax.axis_index("c") * 16 + lax.axis_index("s")
  rbase = wid * RPW
  pltpu.sync_copy(acc_hbm.at[:, :, pl.ds(rbase, RPW)], acc_v)

  def _blk(j, _):
    sl = pl.ds(j * 16, 16)

    def _chunk(k, carry):
      o0, o1, o2, t = carry
      o0 = o0 + t * acc_v[k, 0, sl]
      o1 = o1 + t * acc_v[k, 1, sl]
      o2 = o2 + t * acc_v[k, 2, sl]
      t = t * acc_v[k, 3, sl]
      return (o0, o1, o2, t)

    z = jnp.zeros((16,), jnp.float32)
    o0, o1, o2, t = lax.fori_loop(0, NW, _chunk, (z, z, z,
                                                  jnp.ones((16,), jnp.float32)))
    out_v[0, sl] = o0 + t
    out_v[1, sl] = o1 + t
    out_v[2, sl] = o2 + t
    return 0

  lax.fori_loop(0, RPW // 16, _blk, 0)
  pltpu.sync_copy(out_v, out_hbm.at[:, pl.ds(rbase, RPW)])


def kernel(density, rgb, ray_id):
  acc = _phase1(density, rgb[:, 0], rgb[:, 1], rgb[:, 2], ray_id)
  out = _phase2(acc)
  return out.T

# --- scband reference (transcript-rebuilt; emitter-appended) ---
"""Pipeline reference for scband-direct-vox-go-33603824124161 (READ-ONLY COPY).

The authoritative reference and input builder live on the scoring server;
editing this copy changes nothing except your own understanding.
"""

import jax, jax.numpy as jnp
import numpy as np

N_RAYS = 8192
NP = 2097152
ALPHA_INIT = 0.01
INTERVAL = 0.5
SHIFT = float(np.log(1.0 / (1.0 - ALPHA_INIT) - 1.0))


def setup_inputs(seed: int = 0) -> dict:
    key = jax.random.key(seed)
    k1, k2, k3 = jax.random.split(key, 3)
    density = jax.random.normal(k1, (NP,), dtype=jnp.float32)
    rgb = jax.random.normal(k2, (NP, 3), dtype=jnp.float32)
    ray_id = jnp.sort(jax.random.randint(k3, (NP,), 0, N_RAYS)).astype(jnp.int32)
    return {"density": density, "rgb": rgb, "ray_id": ray_id}


def _render(density, rgb, ray_id):
    # Raw2Alpha: alpha = 1 - (1 + exp(density + shift)) ** (-interval)
    # log(1 - alpha) = -interval * softplus(density + shift)  (numerically stable)
    logt = -INTERVAL * jax.nn.softplus(density + SHIFT)
    alpha = -jnp.expm1(logt)
    # Alphas2Weights: per-ray exclusive cumprod of (1 - alpha) in log space.
    c = jnp.cumsum(logt)              # inclusive global cumsum (non-increasing)
    ex = c - logt                     # exclusive global cumsum
    # value of ex at the first sample of each ray segment (max since ex is non-increasing)
    base = jax.ops.segment_max(ex, ray_id, num_segments=N_RAYS)
    base = jnp.where(jnp.isfinite(base), base, 0.0)
    T = jnp.exp(ex - base[ray_id])    # transmittance per sample
    weights = T * alpha
    # remaining transmittance after last sample of each ray
    last = jax.ops.segment_min(c, ray_id, num_segments=N_RAYS)
    alphainv_last = jnp.where(jnp.isfinite(last), jnp.exp(last - base), 1.0)
    # accumulate rgb per ray (white background)
    rgb_pt = jax.nn.sigmoid(rgb)
    rgb_marched = jax.ops.segment_sum(weights[:, None] * rgb_pt, ray_id, num_segments=N_RAYS)
    rgb_marched = rgb_marched + alphainv_last[:, None]
    return rgb_marched


def reference(density, rgb, ray_id):
    return _render(density, rgb, ray_id)

if __name__ == "__main__":
    import jax
    _d = setup_inputs()
    print(jax.jit(kernel)(*tuple(_d.values())))

</pallas_src>

<mosaic_0001>
#map = affine_map<(d0, d1) -> (0, 0, 0)>
#map1 = affine_map<(d0, d1) -> (0, 0)>
module attributes {stable_mosaic.version = 14 : i64} {
  func.func @_phase2(%arg0: i32, %arg1: i32, %arg2: memref<32x4x8192xf32, #tpu.memory_space<hbm>>, %arg3: memref<3x8192xf32, #tpu.memory_space<hbm>>, %arg4: memref<32x4x256xf32, #tpu.memory_space<vmem>>, %arg5: memref<3x256xf32, #tpu.memory_space<vmem>>) attributes {dimension_semantics = [#tpu.dimension_semantics<core_parallel>, #tpu.dimension_semantics<subcore_parallel>], iteration_bounds = array<i64: 2, 16>, scalar_prefetch = 0 : i64, scratch_operands = 2 : i64, tpu.core_type = #tpu.core_type<sc_vector_subcore>, window_params = [{transform_indices = #map}, {transform_indices = #map1}]} {
    %mul3A = arith.constant 16 : i32
    %mul3A_0 = arith.muli %arg0, %mul3A : i32
    %add3A = arith.addi %mul3A_0, %arg1 : i32
    %mul3A_1 = arith.constant 256 : i32
    %mul3A_2 = arith.muli %add3A, %mul3A_1 : i32
    "tpu.region"() ({
      %run_scoped3A = tpu.sem_alloc : memref<!tpu.dma_semaphore, #tpu.memory_space<semaphore_mem>>
      %dma_start3A = arith.constant 0 : i32
      %dma_start3A_9 = arith.constant 0 : i32
      %dma_start3A_10 = tpu.memref_slice %arg2[%dma_start3A, %dma_start3A_9, %mul3A_2] : memref<32x4x8192xf32, #tpu.memory_space<hbm>> -> memref<32x4x256xf32, #tpu.memory_space<hbm>>
      %dma_start3A_11 = arith.constant 0 : i32
      %dma_start3A_12 = arith.constant 0 : i32
      %dma_start3A_13 = tpu.memref_slice %arg2[%dma_start3A_11, %dma_start3A_12, %mul3A_2] : memref<32x4x8192xf32, #tpu.memory_space<hbm>> -> memref<32x4x256xf32, #tpu.memory_space<hbm>>
      tpu.enqueue_dma source(%dma_start3A_13 : memref<32x4x256xf32, #tpu.memory_space<hbm>>) target(%arg4 : memref<32x4x256xf32, #tpu.memory_space<vmem>>) target_semaphore(%run_scoped3A : memref<!tpu.dma_semaphore, #tpu.memory_space<semaphore_mem>>)
      %dma_wait3A = arith.constant 0 : i32
      %dma_wait3A_14 = arith.constant 0 : i32
      %dma_wait3A_15 = tpu.memref_slice %arg2[%dma_wait3A, %dma_wait3A_14, %mul3A_2] : memref<32x4x8192xf32, #tpu.memory_space<hbm>> -> memref<32x4x256xf32, #tpu.memory_space<hbm>>
      %dma_wait3A_16 = arith.constant 0 : i32
      %dma_wait3A_17 = arith.constant 0 : i32
      %dma_wait3A_18 = tpu.memref_slice %arg2[%dma_wait3A_16, %dma_wait3A_17, %mul3A_2] : memref<32x4x8192xf32, #tpu.memory_space<hbm>> -> memref<32x4x256xf32, #tpu.memory_space<hbm>>
      tpu.wait_dma2 semaphore(%run_scoped3A : memref<!tpu.dma_semaphore, #tpu.memory_space<semaphore_mem>>) src(%dma_wait3A_18 : memref<32x4x256xf32, #tpu.memory_space<hbm>>) dst(%arg4 : memref<32x4x256xf32, #tpu.memory_space<vmem>>)
      tpu.yield
    }) : () -> ()
    %scan3A = arith.constant 0 : i32
    %scan3A_3 = arith.constant 0 : i32
    %scan3A_4 = arith.constant 16 : i32
    %scan3A_5 = arith.addi %scan3A_3, %scan3A_4 : i32
    %scan3A_6 = arith.constant 1 : i32
    %scan3A_7 = scf.for %scan3A_9 = %scan3A_3 to %scan3A_5 step %scan3A_6 iter_args(%scan3A_10 = %scan3A) -> (i32)  : i32 {
      %mul3A_11 = arith.constant 16 : i32
      %mul3A_12 = arith.muli %scan3A_9, %mul3A_11 : i32
      %broadcast_in_dim3A = arith.constant 0.000000e+00 : f32
      %broadcast_in_dim3A_13 = vector.broadcast %broadcast_in_dim3A : f32 to vector<16xf32>
      %broadcast_in_dim3A_14 = arith.constant 1.000000e+00 : f32
      %broadcast_in_dim3A_15 = vector.broadcast %broadcast_in_dim3A_14 : f32 to vector<16xf32>
      %scan3A_16 = arith.constant 0 : i32
      %scan3A_17 = arith.constant 32 : i32
      %scan3A_18 = arith.addi %scan3A_16, %scan3A_17 : i32
      %scan3A_19 = arith.constant 1 : i32
      %scan3A_20:4 = scf.for %scan3A_37 = %scan3A_16 to %scan3A_18 step %scan3A_19 iter_args(%scan3A_38 = %broadcast_in_dim3A_13, %scan3A_39 = %broadcast_in_dim3A_13, %scan3A_40 = %broadcast_in_dim3A_13, %scan3A_41 = %broadcast_in_dim3A_15) -> (vector<16xf32>, vector<16xf32>, vector<16xf32>, vector<16xf32>)  : i32 {
        %get3A = arith.constant 0 : i32
        %get3A_42 = arith.index_cast %scan3A_37 : i32 to index
        %get3A_43 = arith.index_cast %get3A : i32 to index
        %get3A_44 = arith.index_cast %mul3A_12 : i32 to index
        %get3A_45 = tpu.vector_load %arg4[%get3A_42, %get3A_43, %get3A_44] {strides = array<i32>} : memref<32x4x256xf32, #tpu.memory_space<vmem>>, vector<16xf32>,
        %mul3A_46 = arith.mulf %scan3A_41, %get3A_45 : vector<16xf32>
        %add3A_47 = arith.addf %scan3A_38, %mul3A_46 : vector<16xf32>
        %get3A_48 = arith.constant 1 : i32
        %get3A_49 = arith.index_cast %scan3A_37 : i32 to index
        %get3A_50 = arith.index_cast %get3A_48 : i32 to index
        %get3A_51 = arith.index_cast %mul3A_12 : i32 to index
        %get3A_52 = tpu.vector_load %arg4[%get3A_49, %get3A_50, %get3A_51] {strides = array<i32>} : memref<32x4x256xf32, #tpu.memory_space<vmem>>, vector<16xf32>,
        %mul3A_53 = arith.mulf %scan3A_41, %get3A_52 : vector<16xf32>
        %add3A_54 = arith.addf %scan3A_39, %mul3A_53 : vector<16xf32>
        %get3A_55 = arith.constant 2 : i32
        %get3A_56 = arith.index_cast %scan3A_37 : i32 to index
        %get3A_57 = arith.index_cast %get3A_55 : i32 to index
        %get3A_58 = arith.index_cast %mul3A_12 : i32 to index
        %get3A_59 = tpu.vector_load %arg4[%get3A_56, %get3A_57, %get3A_58] {strides = array<i32>} : memref<32x4x256xf32, #tpu.memory_space<vmem>>, vector<16xf32>,
        %mul3A_60 = arith.mulf %scan3A_41, %get3A_59 : vector<16xf32>
        %add3A_61 = arith.addf %scan3A_40, %mul3A_60 : vector<16xf32>
        %get3A_62 = arith.constant 3 : i32
        %get3A_63 = arith.index_cast %scan3A_37 : i32 to index
        %get3A_64 = arith.index_cast %get3A_62 : i32 to index
        %get3A_65 = arith.index_cast %mul3A_12 : i32 to index
        %get3A_66 = tpu.vector_load %arg4[%get3A_63, %get3A_64, %get3A_65] {strides = array<i32>} : memref<32x4x256xf32, #tpu.memory_space<vmem>>, vector<16xf32>,
        %mul3A_67 = arith.mulf %scan3A_41, %get3A_66 : vector<16xf32>
        scf.yield %add3A_47, %add3A_54, %add3A_61, %mul3A_67 : vector<16xf32>, vector<16xf32>, vector<16xf32>, vector<16xf32>
      }
      %scan3A_21 = arith.constant 32 : i32
      %add3A_22 = arith.addf %scan3A_20#0, %scan3A_20#3 : vector<16xf32>
      %swap3A = arith.constant 0 : i32
      %swap3A_23 = arith.index_cast %swap3A : i32 to index
      %swap3A_24 = arith.index_cast %mul3A_12 : i32 to index
      %swap3A_25 = tpu.vector_load %arg5[%swap3A_23, %swap3A_24] {strides = array<i32>} : memref<3x256xf32, #tpu.memory_space<vmem>>, vector<16xf32>,
      tpu.vector_store %arg5[%swap3A_23, %swap3A_24], %add3A_22 {strides = array<i32>} : memref<3x256xf32, #tpu.memory_space<vmem>>, vector<16xf32>,
      %add3A_26 = arith.addf %scan3A_20#1, %scan3A_20#3 : vector<16xf32>
      %swap3A_27 = arith.constant 1 : i32
      %swap3A_28 = arith.index_cast %swap3A_27 : i32 to index
      %swap3A_29 = arith.index_cast %mul3A_12 : i32 to index
      %swap3A_30 = tpu.vector_load %arg5[%swap3A_28, %swap3A_29] {strides = array<i32>} : memref<3x256xf32, #tpu.memory_space<vmem>>, vector<16xf32>,
      tpu.vector_store %arg5[%swap3A_28, %swap3A_29], %add3A_26 {strides = array<i32>} : memref<3x256xf32, #tpu.memory_space<vmem>>, vector<16xf32>,
      %add3A_31 = arith.addf %scan3A_20#2, %scan3A_20#3 : vector<16xf32>
      %swap3A_32 = arith.constant 2 : i32
      %swap3A_33 = arith.index_cast %swap3A_32 : i32 to index
      %swap3A_34 = arith.index_cast %mul3A_12 : i32 to index
      %swap3A_35 = tpu.vector_load %arg5[%swap3A_33, %swap3A_34] {strides = array<i32>} : memref<3x256xf32, #tpu.memory_space<vmem>>, vector<16xf32>,
      tpu.vector_store %arg5[%swap3A_33, %swap3A_34], %add3A_31 {strides = array<i32>} : memref<3x256xf32, #tpu.memory_space<vmem>>, vector<16xf32>,
      %scan3A_36 = arith.constant 0 : i32
      scf.yield %scan3A_36 : i32
    }
    %scan3A_8 = arith.constant 16 : i32
    "tpu.region"() ({
      %run_scoped3A = tpu.sem_alloc : memref<!tpu.dma_semaphore, #tpu.memory_space<semaphore_mem>>
      %dma_start3A = arith.constant 0 : i32
      %dma_start3A_9 = tpu.memref_slice %arg3[%dma_start3A, %mul3A_2] : memref<3x8192xf32, #tpu.memory_space<hbm>> -> memref<3x256xf32, #tpu.memory_space<hbm>>
      %dma_start3A_10 = arith.constant 0 : i32
      %dma_start3A_11 = tpu.memref_slice %arg3[%dma_start3A_10, %mul3A_2] : memref<3x8192xf32, #tpu.memory_space<hbm>> -> memref<3x256xf32, #tpu.memory_space<hbm>>
      tpu.enqueue_dma source(%arg5 : memref<3x256xf32, #tpu.memory_space<vmem>>) target(%dma_start3A_11 : memref<3x256xf32, #tpu.memory_space<hbm>>) target_semaphore(%run_scoped3A : memref<!tpu.dma_semaphore, #tpu.memory_space<semaphore_mem>>)
      %dma_wait3A = arith.constant 0 : i32
      %dma_wait3A_12 = tpu.memref_slice %arg3[%dma_wait3A, %mul3A_2] : memref<3x8192xf32, #tpu.memory_space<hbm>> -> memref<3x256xf32, #tpu.memory_space<hbm>>
      %dma_wait3A_13 = arith.constant 0 : i32
      %dma_wait3A_14 = tpu.memref_slice %arg3[%dma_wait3A_13, %mul3A_2] : memref<3x8192xf32, #tpu.memory_space<hbm>> -> memref<3x256xf32, #tpu.memory_space<hbm>>
      tpu.wait_dma2 semaphore(%run_scoped3A : memref<!tpu.dma_semaphore, #tpu.memory_space<semaphore_mem>>) src(%arg5 : memref<3x256xf32, #tpu.memory_space<vmem>>) dst(%dma_wait3A_14 : memref<3x256xf32, #tpu.memory_space<hbm>>)
      tpu.yield
    }) : () -> ()
    return
  }
}

#map = affine_map<(d0, d1) -> (0)>
#map1 = affine_map<(d0, d1) -> (0, 0, 0)>
module attributes {stable_mosaic.version = 14 : i64} {
  func.func @_phase1(%arg0: i32, %arg1: i32, %arg2: memref<2097152xf32, #tpu.memory_space<hbm>>, %arg3: memref<2097152xf32, #tpu.memory_space<hbm>>, %arg4: memref<2097152xf32, #tpu.memory_space<hbm>>, %arg5: memref<2097152xf32, #tpu.memory_space<hbm>>, %arg6: memref<2097152xi32, #tpu.memory_space<hbm>>, %arg7: memref<32x4x8192xf32, #tpu.memory_space<hbm>>, %arg8: memref<4096xf32, #tpu.memory_space<vmem>>, %arg9: memref<4096xi32, #tpu.memory_space<vmem>>, %arg10: memref<4096xf32, #tpu.memory_space<vmem>>, %arg11: memref<4096xf32, #tpu.memory_space<vmem>>, %arg12: memref<4096xf32, #tpu.memory_space<vmem>>, %arg13: memref<8192xf32, #tpu.memory_space<vmem>>, %arg14: memref<8192xf32, #tpu.memory_space<vmem>>, %arg15: memref<8192xf32, #tpu.memory_space<vmem>>, %arg16: memref<8192xf32, #tpu.memory_space<vmem>>, %arg17: memref<64xf32, #tpu.memory_space<vmem>>, %arg18: memref<!tpu.dma_semaphore, #tpu.memory_space<semaphore_mem>>) attributes {dimension_semantics = [#tpu.dimension_semantics<core_parallel>, #tpu.dimension_semantics<subcore_parallel>], iteration_bounds = array<i64: 2, 16>, scalar_prefetch = 0 : i64, scratch_operands = 11 : i64, tpu.core_type = #tpu.core_type<sc_vector_subcore>, window_params = [{transform_indices = #map}, {transform_indices = #map}, {transform_indices = #map}, {transform_indices = #map}, {transform_indices = #map}, {transform_indices = #map1}]} {
    %mul3A = arith.constant 16 : i32
    %mul3A_0 = arith.muli %arg0, %mul3A : i32
    %add3A = arith.addi %mul3A_0, %arg1 : i32
    %mul3A_1 = arith.constant 65536 : i32
    %mul3A_2 = arith.muli %add3A, %mul3A_1 : i32
    %iota3A = tpu.iota {dimensions = array<i32: 0>} : vector<16xi32>
    %broadcast_in_dim3A = arith.constant 0.000000e+00 : f32
    %broadcast_in_dim3A_3 = vector.broadcast %broadcast_in_dim3A : f32 to vector<16xf32>
    %broadcast_in_dim3A_4 = arith.constant 1.000000e+00 : f32
    %broadcast_in_dim3A_5 = vector.broadcast %broadcast_in_dim3A_4 : f32 to vector<16xf32>
    %broadcast_in_dim3A_6 = arith.constant -1 : i32
    %broadcast_in_dim3A_7 = vector.broadcast %broadcast_in_dim3A_6 : i32 to vector<16xi32>
    %scan3A = arith.constant 0 : i32
    %scan3A_8 = arith.constant 0 : i32
    %scan3A_9 = arith.constant 512 : i32
    %scan3A_10 = arith.addi %scan3A_8, %scan3A_9 : i32
    %scan3A_11 = arith.constant 1 : i32
    %scan3A_12 = scf.for %scan3A_57 = %scan3A_8 to %scan3A_10 step %scan3A_11 iter_args(%scan3A_58 = %scan3A) -> (i32)  : i32 {
      %mul3A_59 = arith.constant 16 : i32
      %mul3A_60 = arith.muli %scan3A_57, %mul3A_59 : i32
      %swap3A = arith.index_cast %mul3A_60 : i32 to index
      %swap3A_61 = tpu.vector_load %arg13[%swap3A] {strides = array<i32>} : memref<8192xf32, #tpu.memory_space<vmem>>, vector<16xf32>,
      tpu.vector_store %arg13[%swap3A], %broadcast_in_dim3A_3 {strides = array<i32>} : memref<8192xf32, #tpu.memory_space<vmem>>, vector<16xf32>,
      %swap3A_62 = arith.index_cast %mul3A_60 : i32 to index
      %swap3A_63 = tpu.vector_load %arg14[%swap3A_62] {strides = array<i32>} : memref<8192xf32, #tpu.memory_space<vmem>>, vector<16xf32>,
      tpu.vector_store %arg14[%swap3A_62], %broadcast_in_dim3A_3 {strides = array<i32>} : memref<8192xf32, #tpu.memory_space<vmem>>, vector<16xf32>,
      %swap3A_64 = arith.index_cast %mul3A_60 : i32 to index
      %swap3A_65 = tpu.vector_load %arg15[%swap3A_64] {strides = array<i32>} : memref<8192xf32, #tpu.memory_space<vmem>>, vector<16xf32>,
      tpu.vector_store %arg15[%swap3A_64], %broadcast_in_dim3A_3 {strides = array<i32>} : memref<8192xf32, #tpu.memory_space<vmem>>, vector<16xf32>,
      %swap3A_66 = arith.index_cast %mul3A_60 : i32 to index
      %swap3A_67 = tpu.vector_load %arg16[%swap3A_66] {strides = array<i32>} : memref<8192xf32, #tpu.memory_space<vmem>>, vector<16xf32>,
      tpu.vector_store %arg16[%swap3A_66], %broadcast_in_dim3A_5 {strides = array<i32>} : memref<8192xf32, #tpu.memory_space<vmem>>, vector<16xf32>,
      %scan3A_68 = arith.constant 0 : i32
      scf.yield %scan3A_68 : i32
    }
    %scan3A_13 = arith.constant 512 : i32
    %add3A_14 = arith.constant 0 : i32
    %add3A_15 = arith.addi %mul3A_2, %add3A_14 : i32
    %dma_start3A = arith.constant 0 : i32
    %dma_start3A_16 = tpu.memref_slice %arg8[%dma_start3A] : memref<4096xf32, #tpu.memory_space<vmem>> -> memref<2048xf32, #tpu.memory_space<vmem>>
    %dma_start3A_17 = tpu.memref_slice %arg2[%add3A_15] : memref<2097152xf32, #tpu.memory_space<hbm>> -> memref<2048xf32, #tpu.memory_space<hbm>>
    %dma_start3A_18 = arith.constant 0 : i32
    %dma_start3A_19 = tpu.memref_slice %arg8[%dma_start3A_18] : memref<4096xf32, #tpu.memory_space<vmem>> -> memref<2048xf32, #tpu.memory_space<vmem>>
    %dma_start3A_20 = tpu.memref_slice %arg2[%add3A_15] : memref<2097152xf32, #tpu.memory_space<hbm>> -> memref<2048xf32, #tpu.memory_space<hbm>>
    tpu.enqueue_dma source(%dma_start3A_20 : memref<2048xf32, #tpu.memory_space<hbm>>) target(%dma_start3A_19 : memref<2048xf32, #tpu.memory_space<vmem>>) target_semaphore(%arg18 : memref<!tpu.dma_semaphore, #tpu.memory_space<semaphore_mem>>)
    %dma_start3A_21 = arith.constant 0 : i32
    %dma_start3A_22 = tpu.memref_slice %arg9[%dma_start3A_21] : memref<4096xi32, #tpu.memory_space<vmem>> -> memref<2048xi32, #tpu.memory_space<vmem>>
    %dma_start3A_23 = tpu.memref_slice %arg6[%add3A_15] : memref<2097152xi32, #tpu.memory_space<hbm>> -> memref<2048xi32, #tpu.memory_space<hbm>>
    %dma_start3A_24 = arith.constant 0 : i32
    %dma_start3A_25 = tpu.memref_slice %arg9[%dma_start3A_24] : memref<4096xi32, #tpu.memory_space<vmem>> -> memref<2048xi32, #tpu.memory_space<vmem>>
    %dma_start3A_26 = tpu.memref_slice %arg6[%add3A_15] : memref<2097152xi32, #tpu.memory_space<hbm>> -> memref<2048xi32, #tpu.memory_space<hbm>>
    tpu.enqueue_dma source(%dma_start3A_26 : memref<2048xi32, #tpu.memory_space<hbm>>) target(%dma_start3A_25 : memref<2048xi32, #tpu.memory_space<vmem>>) target_semaphore(%arg18 : memref<!tpu.dma_semaphore, #tpu.memory_space<semaphore_mem>>)
    %dma_start3A_27 = arith.constant 0 : i32
    %dma_start3A_28 = tpu.memref_slice %arg10[%dma_start3A_27] : memref<4096xf32, #tpu.memory_space<vmem>> -> memref<2048xf32, #tpu.memory_space<vmem>>
    %dma_start3A_29 = tpu.memref_slice %arg3[%add3A_15] : memref<2097152xf32, #tpu.memory_space<hbm>> -> memref<2048xf32, #tpu.memory_space<hbm>>
    %dma_start3A_30 = arith.constant 0 : i32
    %dma_start3A_31 = tpu.memref_slice %arg10[%dma_start3A_30] : memref<4096xf32, #tpu.memory_space<vmem>> -> memref<2048xf32, #tpu.memory_space<vmem>>
    %dma_start3A_32 = tpu.memref_slice %arg3[%add3A_15] : memref<2097152xf32, #tpu.memory_space<hbm>> -> memref<2048xf32, #tpu.memory_space<hbm>>
    tpu.enqueue_dma source(%dma_start3A_32 : memref<2048xf32, #tpu.memory_space<hbm>>) target(%dma_start3A_31 : memref<2048xf32, #tpu.memory_space<vmem>>) target_semaphore(%arg18 : memref<!tpu.dma_semaphore, #tpu.memory_space<semaphore_mem>>)
    %dma_start3A_33 = arith.constant 0 : i32
    %dma_start3A_34 = tpu.memref_slice %arg11[%dma_start3A_33] : memref<4096xf32, #tpu.memory_space<vmem>> -> memref<2048xf32, #tpu.memory_space<vmem>>
    %dma_start3A_35 = tpu.memref_slice %arg4[%add3A_15] : memref<2097152xf32, #tpu.memory_space<hbm>> -> memref<2048xf32, #tpu.memory_space<hbm>>
    %dma_start3A_36 = arith.constant 0 : i32
    %dma_start3A_37 = tpu.memref_slice %arg11[%dma_start3A_36] : memref<4096xf32, #tpu.memory_space<vmem>> -> memref<2048xf32, #tpu.memory_space<vmem>>
    %dma_start3A_38 = tpu.memref_slice %arg4[%add3A_15] : memref<2097152xf32, #tpu.memory_space<hbm>> -> memref<2048xf32, #tpu.memory_space<hbm>>
    tpu.enqueue_dma source(%dma_start3A_38 : memref<2048xf32, #tpu.memory_space<hbm>>) target(%dma_start3A_37 : memref<2048xf32, #tpu.memory_space<vmem>>) target_semaphore(%arg18 : memref<!tpu.dma_semaphore, #tpu.memory_space<semaphore_mem>>)
    %dma_start3A_39 = arith.constant 0 : i32
    %dma_start3A_40 = tpu.memref_slice %arg12[%dma_start3A_39] : memref<4096xf32, #tpu.memory_space<vmem>> -> memref<2048xf32, #tpu.memory_space<vmem>>
    %dma_start3A_41 = tpu.memref_slice %arg5[%add3A_15] : memref<2097152xf32, #tpu.memory_space<hbm>> -> memref<2048xf32, #tpu.memory_space<hbm>>
    %dma_start3A_42 = arith.constant 0 : i32
    %dma_start3A_43 = tpu.memref_slice %arg12[%dma_start3A_42] : memref<4096xf32, #tpu.memory_space<vmem>> -> memref<2048xf32, #tpu.memory_space<vmem>>
    %dma_start3A_44 = tpu.memref_slice %arg5[%add3A_15] : memref<2097152xf32, #tpu.memory_space<hbm>> -> memref<2048xf32, #tpu.memory_space<hbm>>
    tpu.enqueue_dma source(%dma_start3A_44 : memref<2048xf32, #tpu.memory_space<hbm>>) target(%dma_start3A_43 : memref<2048xf32, #tpu.memory_space<vmem>>) target_semaphore(%arg18 : memref<!tpu.dma_semaphore, #tpu.memory_space<semaphore_mem>>)
    %scan3A_45 = arith.constant 0.000000e+00 : f32
    %scan3A_46 = arith.constant 0.000000e+00 : f32
    %scan3A_47 = arith.constant -1 : i32
    %scan3A_48 = arith.constant 0 : i32
    %scan3A_49 = arith.constant 32 : i32
    %scan3A_50 = arith.addi %scan3A_48, %scan3A_49 : i32
    %scan3A_51 = arith.constant 1 : i32
    %scan3A_52:3 = scf.for %scan3A_57 = %scan3A_48 to %scan3A_50 step %scan3A_51 iter_args(%scan3A_58 = %scan3A_45, %scan3A_59 = %scan3A_46, %scan3A_60 = %scan3A_47) -> (f32, f32, i32)  : i32 {
      %jit3A = arith.constant 2 : i32
      %eq3A = arith.constant 0 : i32
      %eq3A_61 = arith.cmpi eq, %jit3A, %eq3A : i32
      %jit3A_62 = arith.constant 1 : i32
      %select_n3A = arith.select %eq3A_61, %jit3A_62, %jit3A : i32
      %rem3A = arith.remsi %scan3A_57, %select_n3A : i32
      %ne3A = arith.constant 0 : i32
      %ne3A_63 = arith.cmpi ne, %rem3A, %ne3A : i32
      %lt3A = arith.constant 0 : i32
      %lt3A_64 = arith.cmpi slt, %rem3A, %lt3A : i32
      %lt3A_65 = arith.constant 0 : i32
      %lt3A_66 = arith.cmpi slt, %select_n3A, %lt3A_65 : i32
      %ne3A_67 = arith.xori %lt3A_64, %lt3A_66 : i1
      %and3A = arith.andi %ne3A_67, %ne3A_63 : i1
      %add3A_68 = arith.addi %rem3A, %select_n3A : i32
      %select_n3A_69 = arith.select %and3A, %add3A_68, %rem3A : i32
      %mul3A_70 = arith.constant 2048 : i32
      %mul3A_71 = arith.muli %scan3A_57, %mul3A_70 : i32
      %add3A_72 = arith.addi %mul3A_2, %mul3A_71 : i32
      %mul3A_73 = arith.constant 2048 : i32
      %mul3A_74 = arith.muli %select_n3A_69, %mul3A_73 : i32
      %dma_wait3A = tpu.memref_slice %arg8[%mul3A_74] : memref<4096xf32, #tpu.memory_space<vmem>> -> memref<2048xf32, #tpu.memory_space<vmem>>
      %dma_wait3A_75 = tpu.memref_slice %arg2[%add3A_72] : memref<2097152xf32, #tpu.memory_space<hbm>> -> memref<2048xf32, #tpu.memory_space<hbm>>
      %dma_wait3A_76 = tpu.memref_slice %arg8[%mul3A_74] : memref<4096xf32, #tpu.memory_space<vmem>> -> memref<2048xf32, #tpu.memory_space<vmem>>
      %dma_wait3A_77 = tpu.memref_slice %arg2[%add3A_72] : memref<2097152xf32, #tpu.memory_space<hbm>> -> memref<2048xf32, #tpu.memory_space<hbm>>
      tpu.wait_dma2 semaphore(%arg18 : memref<!tpu.dma_semaphore, #tpu.memory_space<semaphore_mem>>) src(%dma_wait3A_77 : memref<2048xf32, #tpu.memory_space<hbm>>) dst(%dma_wait3A_76 : memref<2048xf32, #tpu.memory_space<vmem>>)
      %dma_wait3A_78 = tpu.memref_slice %arg9[%mul3A_74] : memref<4096xi32, #tpu.memory_space<vmem>> -> memref<2048xi32, #tpu.memory_space<vmem>>
      %dma_wait3A_79 = tpu.memref_slice %arg6[%add3A_72] : memref<2097152xi32, #tpu.memory_space<hbm>> -> memref<2048xi32, #tpu.memory_space<hbm>>
      %dma_wait3A_80 = tpu.memref_slice %arg9[%mul3A_74] : memref<4096xi32, #tpu.memory_space<vmem>> -> memref<2048xi32, #tpu.memory_space<vmem>>
      %dma_wait3A_81 = tpu.memref_slice %arg6[%add3A_72] : memref<2097152xi32, #tpu.memory_space<hbm>> -> memref<2048xi32, #tpu.memory_space<hbm>>
      tpu.wait_dma2 semaphore(%arg18 : memref<!tpu.dma_semaphore, #tpu.memory_space<semaphore_mem>>) src(%dma_wait3A_81 : memref<2048xi32, #tpu.memory_space<hbm>>) dst(%dma_wait3A_80 : memref<2048xi32, #tpu.memory_space<vmem>>)
      %dma_wait3A_82 = tpu.memref_slice %arg10[%mul3A_74] : memref<4096xf32, #tpu.memory_space<vmem>> -> memref<2048xf32, #tpu.memory_space<vmem>>
      %dma_wait3A_83 = tpu.memref_slice %arg3[%add3A_72] : memref<2097152xf32, #tpu.memory_space<hbm>> -> memref<2048xf32, #tpu.memory_space<hbm>>
      %dma_wait3A_84 = tpu.memref_slice %arg10[%mul3A_74] : memref<4096xf32, #tpu.memory_space<vmem>> -> memref<2048xf32, #tpu.memory_space<vmem>>
      %dma_wait3A_85 = tpu.memref_slice %arg3[%add3A_72] : memref<2097152xf32, #tpu.memory_space<hbm>> -> memref<2048xf32, #tpu.memory_space<hbm>>
      tpu.wait_dma2 semaphore(%arg18 : memref<!tpu.dma_semaphore, #tpu.memory_space<semaphore_mem>>) src(%dma_wait3A_85 : memref<2048xf32, #tpu.memory_space<hbm>>) dst(%dma_wait3A_84 : memref<2048xf32, #tpu.memory_space<vmem>>)
      %dma_wait3A_86 = tpu.memref_slice %arg11[%mul3A_74] : memref<4096xf32, #tpu.memory_space<vmem>> -> memref<2048xf32, #tpu.memory_space<vmem>>
      %dma_wait3A_87 = tpu.memref_slice %arg4[%add3A_72] : memref<2097152xf32, #tpu.memory_space<hbm>> -> memref<2048xf32, #tpu.memory_space<hbm>>
      %dma_wait3A_88 = tpu.memref_slice %arg11[%mul3A_74] : memref<4096xf32, #tpu.memory_space<vmem>> -> memref<2048xf32, #tpu.memory_space<vmem>>
      %dma_wait3A_89 = tpu.memref_slice %arg4[%add3A_72] : memref<2097152xf32, #tpu.memory_space<hbm>> -> memref<2048xf32, #tpu.memory_space<hbm>>
      tpu.wait_dma2 semaphore(%arg18 : memref<!tpu.dma_semaphore, #tpu.memory_space<semaphore_mem>>) src(%dma_wait3A_89 : memref<2048xf32, #tpu.memory_space<hbm>>) dst(%dma_wait3A_88 : memref<2048xf32, #tpu.memory_space<vmem>>)
      %dma_wait3A_90 = tpu.memref_slice %arg12[%mul3A_74] : memref<4096xf32, #tpu.memory_space<vmem>> -> memref<2048xf32, #tpu.memory_space<vmem>>
      %dma_wait3A_91 = tpu.memref_slice %arg5[%add3A_72] : memref<2097152xf32, #tpu.memory_space<hbm>> -> memref<2048xf32, #tpu.memory_space<hbm>>
      %dma_wait3A_92 = tpu.memref_slice %arg12[%mul3A_74] : memref<4096xf32, #tpu.memory_space<vmem>> -> memref<2048xf32, #tpu.memory_space<vmem>>
      %dma_wait3A_93 = tpu.memref_slice %arg5[%add3A_72] : memref<2097152xf32, #tpu.memory_space<hbm>> -> memref<2048xf32, #tpu.memory_space<hbm>>
      tpu.wait_dma2 semaphore(%arg18 : memref<!tpu.dma_semaphore, #tpu.memory_space<semaphore_mem>>) src(%dma_wait3A_93 : memref<2048xf32, #tpu.memory_space<hbm>>) dst(%dma_wait3A_92 : memref<2048xf32, #tpu.memory_space<vmem>>)
      %add3A_94 = arith.constant 1 : i32
      %add3A_95 = arith.addi %scan3A_57, %add3A_94 : i32
      %lt3A_96 = arith.constant 32 : i32
      %lt3A_97 = arith.cmpi slt, %add3A_95, %lt3A_96 : i32
      %convert_element_type3A = arith.extui %lt3A_97 : i1 to i32
      %cond3A = arith.constant 0 : i32
      %cond3A_98 = arith.cmpi ne, %convert_element_type3A, %cond3A : i32
      scf.if %cond3A_98 {
        %add3A_107 = arith.constant 1 : i32
        %add3A_108 = arith.addi %scan3A_57, %add3A_107 : i32
        %add3A_109 = arith.constant 1 : i32
        %add3A_110 = arith.addi %scan3A_57, %add3A_109 : i32
        %jit3A_111 = arith.constant 2 : i32
        %eq3A_112 = arith.constant 0 : i32
        %eq3A_113 = arith.cmpi eq, %jit3A_111, %eq3A_112 : i32
        %jit3A_114 = arith.constant 1 : i32
        %select_n3A_115 = arith.select %eq3A_113, %jit3A_114, %jit3A_111 : i32
        %rem3A_116 = arith.remsi %add3A_110, %select_n3A_115 : i32
        %ne3A_117 = arith.constant 0 : i32
        %ne3A_118 = arith.cmpi ne, %rem3A_116, %ne3A_117 : i32
        %lt3A_119 = arith.constant 0 : i32
        %lt3A_120 = arith.cmpi slt, %rem3A_116, %lt3A_119 : i32
        %lt3A_121 = arith.constant 0 : i32
        %lt3A_122 = arith.cmpi slt, %select_n3A_115, %lt3A_121 : i32
        %ne3A_123 = arith.xori %lt3A_120, %lt3A_122 : i1
        %and3A_124 = arith.andi %ne3A_123, %ne3A_118 : i1
        %add3A_125 = arith.addi %rem3A_116, %select_n3A_115 : i32
        %select_n3A_126 = arith.select %and3A_124, %add3A_125, %rem3A_116 : i32
        %mul3A_127 = arith.constant 2048 : i32
        %mul3A_128 = arith.muli %add3A_108, %mul3A_127 : i32
        %add3A_129 = arith.addi %mul3A_2, %mul3A_128 : i32
        %mul3A_130 = arith.constant 2048 : i32
        %mul3A_131 = arith.muli %select_n3A_126, %mul3A_130 : i32
        %dma_start3A_132 = tpu.memref_slice %arg8[%mul3A_131] : memref<4096xf32, #tpu.memory_space<vmem>> -> memref<2048xf32, #tpu.memory_space<vmem>>
        %dma_start3A_133 = tpu.memref_slice %arg2[%add3A_129] : memref<2097152xf32, #tpu.memory_space<hbm>> -> memref<2048xf32, #tpu.memory_space<hbm>>
        %dma_start3A_134 = tpu.memref_slice %arg8[%mul3A_131] : memref<4096xf32, #tpu.memory_space<vmem>> -> memref<2048xf32, #tpu.memory_space<vmem>>
        %dma_start3A_135 = tpu.memref_slice %arg2[%add3A_129] : memref<2097152xf32, #tpu.memory_space<hbm>> -> memref<2048xf32, #tpu.memory_space<hbm>>
        tpu.enqueue_dma source(%dma_start3A_135 : memref<2048xf32, #tpu.memory_space<hbm>>) target(%dma_start3A_134 : memref<2048xf32, #tpu.memory_space<vmem>>) target_semaphore(%arg18 : memref<!tpu.dma_semaphore, #tpu.memory_space<semaphore_mem>>)
        %dma_start3A_136 = tpu.memref_slice %arg9[%mul3A_131] : memref<4096xi32, #tpu.memory_space<vmem>> -> memref<2048xi32, #tpu.memory_space<vmem>>
        %dma_start3A_137 = tpu.memref_slice %arg6[%add3A_129] : memref<2097152xi32, #tpu.memory_space<hbm>> -> memref<2048xi32, #tpu.memory_space<hbm>>
        %dma_start3A_138 = tpu.memref_slice %arg9[%mul3A_131] : memref<4096xi32, #tpu.memory_space<vmem>> -> memref<2048xi32, #tpu.memory_space<vmem>>
        %dma_start3A_139 = tpu.memref_slice %arg6[%add3A_129] : memref<2097152xi32, #tpu.memory_space<hbm>> -> memref<2048xi32, #tpu.memory_space<hbm>>
        tpu.enqueue_dma source(%dma_start3A_139 : memref<2048xi32, #tpu.memory_space<hbm>>) target(%dma_start3A_138 : memref<2048xi32, #tpu.memory_space<vmem>>) target_semaphore(%arg18 : memref<!tpu.dma_semaphore, #tpu.memory_space<semaphore_mem>>)
        %dma_start3A_140 = tpu.memref_slice %arg10[%mul3A_131] : memref<4096xf32, #tpu.memory_space<vmem>> -> memref<2048xf32, #tpu.memory_space<vmem>>
        %dma_start3A_141 = tpu.memref_slice %arg3[%add3A_129] : memref<2097152xf32, #tpu.memory_space<hbm>> -> memref<2048xf32, #tpu.memory_space<hbm>>
        %dma_start3A_142 = tpu.memref_slice %arg10[%mul3A_131] : memref<4096xf32, #tpu.memory_space<vmem>> -> memref<2048xf32, #tpu.memory_space<vmem>>
        %dma_start3A_143 = tpu.memref_slice %arg3[%add3A_129] : memref<2097152xf32, #tpu.memory_space<hbm>> -> memref<2048xf32, #tpu.memory_space<hbm>>
        tpu.enqueue_dma source(%dma_start3A_143 : memref<2048xf32, #tpu.memory_space<hbm>>) target(%dma_start3A_142 : memref<2048xf32, #tpu.memory_space<vmem>>) target_semaphore(%arg18 : memref<!tpu.dma_semaphore, #tpu.memory_space<semaphore_mem>>)
        %dma_start3A_144 = tpu.memref_slice %arg11[%mul3A_131] : memref<4096xf32, #tpu.memory_space<vmem>> -> memref<2048xf32, #tpu.memory_space<vmem>>
        %dma_start3A_145 = tpu.memref_slice %arg4[%add3A_129] : memref<2097152xf32, #tpu.memory_space<hbm>> -> memref<2048xf32, #tpu.memory_space<hbm>>
        %dma_start3A_146 = tpu.memref_slice %arg11[%mul3A_131] : memref<4096xf32, #tpu.memory_space<vmem>> -> memref<2048xf32, #tpu.memory_space<vmem>>
        %dma_start3A_147 = tpu.memref_slice %arg4[%add3A_129] : memref<2097152xf32, #tpu.memory_space<hbm>> -> memref<2048xf32, #tpu.memory_space<hbm>>
        tpu.enqueue_dma source(%dma_start3A_147 : memref<2048xf32, #tpu.memory_space<hbm>>) target(%dma_start3A_146 : memref<2048xf32, #tpu.memory_space<vmem>>) target_semaphore(%arg18 : memref<!tpu.dma_semaphore, #tpu.memory_space<semaphore_mem>>)
        %dma_start3A_148 = tpu.memref_slice %arg12[%mul3A_131] : memref<4096xf32, #tpu.memory_space<vmem>> -> memref<2048xf32, #tpu.memory_space<vmem>>
        %dma_start3A_149 = tpu.memref_slice %arg5[%add3A_129] : memref<2097152xf32, #tpu.memory_space<hbm>> -> memref<2048xf32, #tpu.memory_space<hbm>>
        %dma_start3A_150 = tpu.memref_slice %arg12[%mul3A_131] : memref<4096xf32, #tpu.memory_space<vmem>> -> memref<2048xf32, #tpu.memory_space<vmem>>
        %dma_start3A_151 = tpu.memref_slice %arg5[%add3A_129] : memref<2097152xf32, #tpu.memory_space<hbm>> -> memref<2048xf32, #tpu.memory_space<hbm>>
        tpu.enqueue_dma source(%dma_start3A_151 : memref<2048xf32, #tpu.memory_space<hbm>>) target(%dma_start3A_150 : memref<2048xf32, #tpu.memory_space<vmem>>) target_semaphore(%arg18 : memref<!tpu.dma_semaphore, #tpu.memory_space<semaphore_mem>>)
      } else {
      }
      %mul3A_99 = arith.constant 2048 : i32
      %mul3A_100 = arith.muli %select_n3A_69, %mul3A_99 : i32
      %scan3A_101 = arith.constant 0 : i32
      %scan3A_102 = arith.constant 128 : i32
      %scan3A_103 = arith.addi %scan3A_101, %scan3A_102 : i32
      %scan3A_104 = arith.constant 1 : i32
      %scan3A_105:3 = scf.for %scan3A_107 = %scan3A_101 to %scan3A_103 step %scan3A_104 iter_args(%scan3A_108 = %scan3A_58, %scan3A_109 = %scan3A_59, %scan3A_110 = %scan3A_60) -> (f32, f32, i32)  : i32 {
        %mul3A_111 = arith.constant 16 : i32
        %mul3A_112 = arith.muli %scan3A_107, %mul3A_111 : i32
        %add3A_113 = arith.addi %mul3A_100, %mul3A_112 : i32
        %get3A = arith.index_cast %add3A_113 : i32 to index
        %get3A_114 = tpu.vector_load %arg8[%get3A] {strides = array<i32>} : memref<4096xf32, #tpu.memory_space<vmem>>, vector<16xf32>,
        %get3A_115 = arith.index_cast %add3A_113 : i32 to index
        %get3A_116 = tpu.vector_load %arg9[%get3A_115] {strides = array<i32>} : memref<4096xi32, #tpu.memory_space<vmem>>, vector<16xi32>,
        %get3A_117 = arith.index_cast %add3A_113 : i32 to index
        %get3A_118 = tpu.vector_load %arg10[%get3A_117] {strides = array<i32>} : memref<4096xf32, #tpu.memory_space<vmem>>, vector<16xf32>,
        %get3A_119 = arith.index_cast %add3A_113 : i32 to index
        %get3A_120 = tpu.vector_load %arg11[%get3A_119] {strides = array<i32>} : memref<4096xf32, #tpu.memory_space<vmem>>, vector<16xf32>,
        %get3A_121 = arith.index_cast %add3A_113 : i32 to index
        %get3A_122 = tpu.vector_load %arg12[%get3A_121] {strides = array<i32>} : memref<4096xf32, #tpu.memory_space<vmem>>, vector<16xf32>,
        %add3A_123 = arith.constant -4.595120e+00 : f32
        %add3A_124 = vector.broadcast %add3A_123 : f32 to vector<16xf32>
        %add3A_125 = arith.addf %get3A_114, %add3A_124 : vector<16xf32>
        %exp3A = math.exp %add3A_125 : vector<16xf32>
        %add3A_126 = arith.constant 1.000000e+00 : f32
        %add3A_127 = vector.broadcast %add3A_126 : f32 to vector<16xf32>
        %add3A_128 = arith.addf %add3A_127, %exp3A : vector<16xf32>
        %bitcast3A = vector.bitcast %add3A_128 : vector<16xf32> to vector<16xi32>
        %shift_right_arithmetic3A = arith.constant 23 : i32
        %shift_right_arithmetic3A_129 = vector.broadcast %shift_right_arithmetic3A : i32 to vector<16xi32>
        %shift_right_arithmetic3A_130 = arith.shrsi %bitcast3A, %shift_right_arithmetic3A_129 : vector<16xi32>
        %sub3A = arith.constant 127 : i32
        %sub3A_131 = vector.broadcast %sub3A : i32 to vector<16xi32>
        %sub3A_132 = arith.subi %shift_right_arithmetic3A_130, %sub3A_131 : vector<16xi32>
        %and3A_133 = arith.constant 8388607 : i32
        %and3A_134 = vector.broadcast %and3A_133 : i32 to vector<16xi32>
        %and3A_135 = arith.andi %bitcast3A, %and3A_134 : vector<16xi32>
        %or3A = arith.constant 1065353216 : i32
        %or3A_136 = vector.broadcast %or3A : i32 to vector<16xi32>
        %or3A_137 = arith.ori %and3A_135, %or3A_136 : vector<16xi32>
        %bitcast3A_138 = vector.bitcast %or3A_137 : vector<16xi32> to vector<16xf32>
        %gt3A = arith.constant 1.41421354 : f32
        %gt3A_139 = vector.broadcast %gt3A : f32 to vector<16xf32>
        %gt3A_140 = arith.cmpf ogt, %bitcast3A_138, %gt3A_139 : vector<16xf32>
        %mul3A_141 = arith.constant 5.000000e-01 : f32
        %mul3A_142 = vector.broadcast %mul3A_141 : f32 to vector<16xf32>
        %mul3A_143 = arith.mulf %bitcast3A_138, %mul3A_142 : vector<16xf32>
        %select_n3A_144 = arith.select %gt3A_140, %mul3A_143, %bitcast3A_138 : vector<16xi1>, vector<16xf32>
        %convert_element_type3A_145 = arith.sitofp %sub3A_132 : vector<16xi32> to vector<16xf32>
        %jit3A_146 = arith.constant 1.000000e+00 : f32
        %jit3A_147 = arith.constant 0.000000e+00 : f32
        %broadcast_in_dim3A_148 = vector.broadcast %jit3A_146 : f32 to vector<16xf32>
        %broadcast_in_dim3A_149 = vector.broadcast %jit3A_147 : f32 to vector<16xf32>
        %select_n3A_150 = arith.select %gt3A_140, %broadcast_in_dim3A_148, %broadcast_in_dim3A_149 : vector<16xi1>, vector<16xf32>
        %add3A_151 = arith.addf %convert_element_type3A_145, %select_n3A_150 : vector<16xf32>
        %sub3A_152 = arith.constant 1.000000e+00 : f32
        %sub3A_153 = vector.broadcast %sub3A_152 : f32 to vector<16xf32>
        %sub3A_154 = arith.subf %select_n3A_144, %sub3A_153 : vector<16xf32>
        %mul3A_155 = arith.constant 0.114484355 : f32
        %mul3A_156 = vector.broadcast %mul3A_155 : f32 to vector<16xf32>
        %mul3A_157 = arith.mulf %mul3A_156, %sub3A_154 : vector<16xf32>
        %add3A_158 = arith.constant -0.186276972 : f32
        %add3A_159 = vector.broadcast %add3A_158 : f32 to vector<16xf32>
        %add3A_160 = arith.addf %mul3A_157, %add3A_159 : vector<16xf32>
        %mul3A_161 = arith.mulf %add3A_160, %sub3A_154 : vector<16xf32>
        %add3A_162 = arith.constant 0.206117854 : f32
        %add3A_163 = vector.broadcast %add3A_162 : f32 to vector<16xf32>
        %add3A_164 = arith.addf %mul3A_161, %add3A_163 : vector<16xf32>
        %mul3A_165 = arith.mulf %add3A_164, %sub3A_154 : vector<16xf32>
        %add3A_166 = arith.constant -0.249112099 : f32
        %add3A_167 = vector.broadcast %add3A_166 : f32 to vector<16xf32>
        %add3A_168 = arith.addf %mul3A_165, %add3A_167 : vector<16xf32>
        %mul3A_169 = arith.mulf %add3A_168, %sub3A_154 : vector<16xf32>
        %add3A_170 = arith.constant 0.333048135 : f32
        %add3A_171 = vector.broadcast %add3A_170 : f32 to vector<16xf32>
        %add3A_172 = arith.addf %mul3A_169, %add3A_171 : vector<16xf32>
        %mul3A_173 = arith.mulf %add3A_172, %sub3A_154 : vector<16xf32>
        %add3A_174 = arith.constant -0.500012934 : f32
        %add3A_175 = vector.broadcast %add3A_174 : f32 to vector<16xf32>
        %add3A_176 = arith.addf %mul3A_173, %add3A_175 : vector<16xf32>
        %mul3A_177 = arith.mulf %add3A_176, %sub3A_154 : vector<16xf32>
        %add3A_178 = arith.constant 1.0000031 : f32
        %add3A_179 = vector.broadcast %add3A_178 : f32 to vector<16xf32>
        %add3A_180 = arith.addf %mul3A_177, %add3A_179 : vector<16xf32>
        %mul3A_181 = arith.mulf %add3A_180, %sub3A_154 : vector<16xf32>
        %add3A_182 = arith.constant 3.34232695E-8 : f32
        %add3A_183 = vector.broadcast %add3A_182 : f32 to vector<16xf32>
        %add3A_184 = arith.addf %mul3A_181, %add3A_183 : vector<16xf32>
        %mul3A_185 = arith.constant 0.693147182 : f32
        %mul3A_186 = vector.broadcast %mul3A_185 : f32 to vector<16xf32>
        %mul3A_187 = arith.mulf %add3A_151, %mul3A_186 : vector<16xf32>
        %add3A_188 = arith.addf %mul3A_187, %add3A_184 : vector<16xf32>
        %mul3A_189 = arith.constant -5.000000e-01 : f32
        %mul3A_190 = vector.broadcast %mul3A_189 : f32 to vector<16xf32>
        %mul3A_191 = arith.mulf %mul3A_190, %add3A_188 : vector<16xf32>
        %broadcast_in_dim3A_192 = arith.constant true
        %broadcast_in_dim3A_193 = vector.broadcast %broadcast_in_dim3A_192 : i1 to vector<16xi1>
        %masked_cumsum3A = tpu.scan <sum>, %mul3A_191 masked %broadcast_in_dim3A_193 : vector<16xf32>, vector<16xi1> -> vector<16xf32>
        %add3A_194 = vector.broadcast %scan3A_108 : f32 to vector<16xf32>
        %add3A_195 = arith.addf %masked_cumsum3A, %add3A_194 : vector<16xf32>
        %sub3A_196 = arith.subf %add3A_195, %mul3A_191 : vector<16xf32>
        %sub3A_197 = arith.constant 1 : i32
        %sub3A_198 = vector.broadcast %sub3A_197 : i32 to vector<16xi32>
        %sub3A_199 = arith.subi %iota3A, %sub3A_198 : vector<16xi32>
        %max3A = arith.constant 0 : i32
        %max3A_200 = vector.broadcast %max3A : i32 to vector<16xi32>
        %max3A_201 = arith.maxsi %sub3A_199, %max3A_200 : vector<16xi32>
        %add3A_202 = vector.broadcast %add3A_113 : i32 to vector<16xi32>
        %add3A_203 = arith.addi %add3A_202, %max3A_201 : vector<16xi32>
        %gather3A = tpu.vector_load_idx %arg9[%add3A_203] : memref<4096xi32, #tpu.memory_space<vmem>>[vector<16xi32>], vector<16xi32>,
        %eq3A_204 = arith.constant 0 : i32
        %eq3A_205 = vector.broadcast %eq3A_204 : i32 to vector<16xi32>
        %eq3A_206 = arith.cmpi eq, %iota3A, %eq3A_205 : vector<16xi32>
        %broadcast_in_dim3A_207 = vector.broadcast %scan3A_110 : i32 to vector<16xi32>
        %select_n3A_208 = arith.select %eq3A_206, %broadcast_in_dim3A_207, %gather3A : vector<16xi1>, vector<16xi32>
        %add3A_209 = arith.constant 1 : i32
        %add3A_210 = vector.broadcast %add3A_209 : i32 to vector<16xi32>
        %add3A_211 = arith.addi %iota3A, %add3A_210 : vector<16xi32>
        %min3A = arith.constant 15 : i32
        %min3A_212 = vector.broadcast %min3A : i32 to vector<16xi32>
        %min3A_213 = arith.minsi %add3A_211, %min3A_212 : vector<16xi32>
        %add3A_214 = vector.broadcast %add3A_113 : i32 to vector<16xi32>
        %add3A_215 = arith.addi %add3A_214, %min3A_213 : vector<16xi32>
        %gather3A_216 = tpu.vector_load_idx %arg9[%add3A_215] : memref<4096xi32, #tpu.memory_space<vmem>>[vector<16xi32>], vector<16xi32>,
        %ne3A_217 = arith.cmpi ne, %get3A_116, %select_n3A_208 : vector<16xi32>
        %select_n3A_218 = arith.select %ne3A_217, %iota3A, %broadcast_in_dim3A_7 : vector<16xi1>, vector<16xi32>
        %broadcast_in_dim3A_219 = arith.constant true
        %broadcast_in_dim3A_220 = vector.broadcast %broadcast_in_dim3A_219 : i1 to vector<16xi1>
        %masked_cummax3A = arith.constant -2147483648 : i32
        %masked_cummax3A_221 = vector.broadcast %masked_cummax3A : i32 to vector<16xi32>
        %masked_cummax3A_222 = arith.xori %select_n3A_218, %masked_cummax3A_221 : vector<16xi32>
        %masked_cummax3A_223 = tpu.scan <max>, %masked_cummax3A_222 masked %broadcast_in_dim3A_220 : vector<16xi32>, vector<16xi1> -> vector<16xi32>
        %masked_cummax3A_224 = arith.xori %masked_cummax3A_223, %masked_cummax3A_221 : vector<16xi32>
        %max3A_225 = arith.constant 0 : i32
        %max3A_226 = vector.broadcast %max3A_225 : i32 to vector<16xi32>
        %max3A_227 = arith.maxsi %masked_cummax3A_224, %max3A_226 : vector<16xi32>
        %sub3A_228 = arith.constant 1 : i32
        %sub3A_229 = vector.broadcast %sub3A_228 : i32 to vector<16xi32>
        %sub3A_230 = arith.subi %max3A_227, %sub3A_229 : vector<16xi32>
        %max3A_231 = arith.constant 0 : i32
        %max3A_232 = vector.broadcast %max3A_231 : i32 to vector<16xi32>
        %max3A_233 = arith.maxsi %sub3A_230, %max3A_232 : vector<16xi32>
        %ge3A = arith.constant 1 : i32
        %ge3A_234 = vector.broadcast %ge3A : i32 to vector<16xi32>
        %ge3A_235 = arith.cmpi sge, %max3A_227, %ge3A_234 : vector<16xi32>
        %swap3A = arith.constant 0 : index
        %swap3A_236 = tpu.vector_load %arg17[%swap3A] {strides = array<i32>} : memref<64xf32, #tpu.memory_space<vmem>>, vector<16xf32>,
        tpu.vector_store %arg17[%swap3A], %add3A_195 {strides = array<i32>} : memref<64xf32, #tpu.memory_space<vmem>>, vector<16xf32>,
        %gather3A_237 = tpu.vector_load_idx %arg17[%max3A_233] : memref<64xf32, #tpu.memory_space<vmem>>[vector<16xi32>], vector<16xf32>,
        %ge3A_238 = arith.constant 0 : i32
        %ge3A_239 = vector.broadcast %ge3A_238 : i32 to vector<16xi32>
        %ge3A_240 = arith.cmpi sge, %masked_cummax3A_224, %ge3A_239 : vector<16xi32>
        %broadcast_in_dim3A_241 = vector.broadcast %scan3A_108 : f32 to vector<16xf32>
        %select_n3A_242 = arith.select %ge3A_235, %gather3A_237, %broadcast_in_dim3A_241 : vector<16xi1>, vector<16xf32>
        %broadcast_in_dim3A_243 = vector.broadcast %scan3A_109 : f32 to vector<16xf32>
        %select_n3A_244 = arith.select %ge3A_240, %select_n3A_242, %broadcast_in_dim3A_243 : vector<16xi1>, vector<16xf32>
        %sub3A_245 = arith.subf %sub3A_196, %select_n3A_244 : vector<16xf32>
        %exp3A_246 = math.exp %sub3A_245 : vector<16xf32>
        %sub3A_247 = arith.subf %add3A_195, %select_n3A_244 : vector<16xf32>
        %exp3A_248 = math.exp %sub3A_247 : vector<16xf32>
        %sub3A_249 = arith.subf %exp3A_246, %exp3A_248 : vector<16xf32>
        %neg3A = arith.constant 0.000000e+00 : f32
        %neg3A_250 = vector.broadcast %neg3A : f32 to vector<16xf32>
        %neg3A_251 = arith.subf %neg3A_250, %get3A_118 : vector<16xf32>
        %exp3A_252 = math.exp %neg3A_251 : vector<16xf32>
        %add3A_253 = arith.constant 1.000000e+00 : f32
        %add3A_254 = vector.broadcast %add3A_253 : f32 to vector<16xf32>
        %add3A_255 = arith.addf %add3A_254, %exp3A_252 : vector<16xf32>
        %div3A = arith.constant 1.000000e+00 : f32
        %div3A_256 = vector.broadcast %div3A : f32 to vector<16xf32>
        %div3A_257 = arith.divf %div3A_256, %add3A_255 : vector<16xf32>
        %mul3A_258 = arith.mulf %sub3A_249, %div3A_257 : vector<16xf32>
        %neg3A_259 = arith.constant 0.000000e+00 : f32
        %neg3A_260 = vector.broadcast %neg3A_259 : f32 to vector<16xf32>
        %neg3A_261 = arith.subf %neg3A_260, %get3A_120 : vector<16xf32>
        %exp3A_262 = math.exp %neg3A_261 : vector<16xf32>
        %add3A_263 = arith.constant 1.000000e+00 : f32
        %add3A_264 = vector.broadcast %add3A_263 : f32 to vector<16xf32>
        %add3A_265 = arith.addf %add3A_264, %exp3A_262 : vector<16xf32>
        %div3A_266 = arith.constant 1.000000e+00 : f32
        %div3A_267 = vector.broadcast %div3A_266 : f32 to vector<16xf32>
        %div3A_268 = arith.divf %div3A_267, %add3A_265 : vector<16xf32>
        %mul3A_269 = arith.mulf %sub3A_249, %div3A_268 : vector<16xf32>
        %neg3A_270 = arith.constant 0.000000e+00 : f32
        %neg3A_271 = vector.broadcast %neg3A_270 : f32 to vector<16xf32>
        %neg3A_272 = arith.subf %neg3A_271, %get3A_122 : vector<16xf32>
        %exp3A_273 = math.exp %neg3A_272 : vector<16xf32>
        %add3A_274 = arith.constant 1.000000e+00 : f32
        %add3A_275 = vector.broadcast %add3A_274 : f32 to vector<16xf32>
        %add3A_276 = arith.addf %add3A_275, %exp3A_273 : vector<16xf32>
        %div3A_277 = arith.constant 1.000000e+00 : f32
        %div3A_278 = vector.broadcast %div3A_277 : f32 to vector<16xf32>
        %div3A_279 = arith.divf %div3A_278, %add3A_276 : vector<16xf32>
        %mul3A_280 = arith.mulf %sub3A_249, %div3A_279 : vector<16xf32>
        %broadcast_in_dim3A_281 = arith.constant true
        %broadcast_in_dim3A_282 = vector.broadcast %broadcast_in_dim3A_281 : i1 to vector<16xi1>
        %masked_cumsum3A_283 = tpu.scan <sum>, %mul3A_258 masked %broadcast_in_dim3A_282 : vector<16xf32>, vector<16xi1> -> vector<16xf32>
        %broadcast_in_dim3A_284 = arith.constant true
        %broadcast_in_dim3A_285 = vector.broadcast %broadcast_in_dim3A_284 : i1 to vector<16xi1>
        %masked_cumsum3A_286 = tpu.scan <sum>, %mul3A_269 masked %broadcast_in_dim3A_285 : vector<16xf32>, vector<16xi1> -> vector<16xf32>
        %broadcast_in_dim3A_287 = arith.constant true
        %broadcast_in_dim3A_288 = vector.broadcast %broadcast_in_dim3A_287 : i1 to vector<16xi1>
        %masked_cumsum3A_289 = tpu.scan <sum>, %mul3A_280 masked %broadcast_in_dim3A_288 : vector<16xf32>, vector<16xi1> -> vector<16xf32>
        %swap3A_290 = arith.constant 16 : index
        %swap3A_291 = tpu.vector_load %arg17[%swap3A_290] {strides = array<i32>} : memref<64xf32, #tpu.memory_space<vmem>>, vector<16xf32>,
        tpu.vector_store %arg17[%swap3A_290], %masked_cumsum3A_283 {strides = array<i32>} : memref<64xf32, #tpu.memory_space<vmem>>, vector<16xf32>,
        %swap3A_292 = arith.constant 32 : index
        %swap3A_293 = tpu.vector_load %arg17[%swap3A_292] {strides = array<i32>} : memref<64xf32, #tpu.memory_space<vmem>>, vector<16xf32>,
        tpu.vector_store %arg17[%swap3A_292], %masked_cumsum3A_286 {strides = array<i32>} : memref<64xf32, #tpu.memory_space<vmem>>, vector<16xf32>,
        %swap3A_294 = arith.constant 48 : index
        %swap3A_295 = tpu.vector_load %arg17[%swap3A_294] {strides = array<i32>} : memref<64xf32, #tpu.memory_space<vmem>>, vector<16xf32>,
        tpu.vector_store %arg17[%swap3A_294], %masked_cumsum3A_289 {strides = array<i32>} : memref<64xf32, #tpu.memory_space<vmem>>, vector<16xf32>,
        %add3A_296 = arith.constant 16 : i32
        %add3A_297 = vector.broadcast %add3A_296 : i32 to vector<16xi32>
        %add3A_298 = arith.addi %add3A_297, %max3A_233 : vector<16xi32>
        %gather3A_299 = tpu.vector_load_idx %arg17[%add3A_298] : memref<64xf32, #tpu.memory_space<vmem>>[vector<16xi32>], vector<16xf32>,
        %select_n3A_300 = arith.select %ge3A_235, %gather3A_299, %broadcast_in_dim3A_3 : vector<16xi1>, vector<16xf32>
        %sub3A_301 = arith.subf %masked_cumsum3A_283, %select_n3A_300 : vector<16xf32>
        %add3A_302 = arith.constant 32 : i32
        %add3A_303 = vector.broadcast %add3A_302 : i32 to vector<16xi32>
        %add3A_304 = arith.addi %add3A_303, %max3A_233 : vector<16xi32>
        %gather3A_305 = tpu.vector_load_idx %arg17[%add3A_304] : memref<64xf32, #tpu.memory_space<vmem>>[vector<16xi32>], vector<16xf32>,
        %select_n3A_306 = arith.select %ge3A_235, %gather3A_305, %broadcast_in_dim3A_3 : vector<16xi1>, vector<16xf32>
        %sub3A_307 = arith.subf %masked_cumsum3A_286, %select_n3A_306 : vector<16xf32>
        %add3A_308 = arith.constant 48 : i32
        %add3A_309 = vector.broadcast %add3A_308 : i32 to vector<16xi32>
        %add3A_310 = arith.addi %add3A_309, %max3A_233 : vector<16xi32>
        %gather3A_311 = tpu.vector_load_idx %arg17[%add3A_310] : memref<64xf32, #tpu.memory_space<vmem>>[vector<16xi32>], vector<16xf32>,
        %select_n3A_312 = arith.select %ge3A_235, %gather3A_311, %broadcast_in_dim3A_3 : vector<16xi1>, vector<16xf32>
        %sub3A_313 = arith.subf %masked_cumsum3A_289, %select_n3A_312 : vector<16xf32>
        %ne3A_314 = arith.cmpi ne, %gather3A_216, %get3A_116 : vector<16xi32>
        %eq3A_315 = arith.constant 15 : i32
        %eq3A_316 = vector.broadcast %eq3A_315 : i32 to vector<16xi32>
        %eq3A_317 = arith.cmpi eq, %iota3A, %eq3A_316 : vector<16xi32>
        %or3A_318 = arith.ori %ne3A_314, %eq3A_317 : vector<16xi1>
        tpu.vector_store_idx %arg13[%get3A_116], %sub3A_301 masked %or3A_318 {add = true} : memref<8192xf32, #tpu.memory_space<vmem>>[vector<16xi32>], vector<16xf32>, vector<16xi1>
        tpu.vector_store_idx %arg14[%get3A_116], %sub3A_307 masked %or3A_318 {add = true} : memref<8192xf32, #tpu.memory_space<vmem>>[vector<16xi32>], vector<16xf32>, vector<16xi1>
        tpu.vector_store_idx %arg15[%get3A_116], %sub3A_313 masked %or3A_318 {add = true} : memref<8192xf32, #tpu.memory_space<vmem>>[vector<16xi32>], vector<16xf32>, vector<16xi1>
        tpu.vector_store_idx %arg16[%get3A_116], %exp3A_248 masked %or3A_318 : memref<8192xf32, #tpu.memory_space<vmem>>[vector<16xi32>], vector<16xf32>, vector<16xi1>
        %reduce_min3A = arith.constant true
        %reduce_min3A_319 = vector.broadcast %reduce_min3A : i1 to vector<16xi1>
        %reduce_min3A_320 = tpu.scan <min>, %add3A_195 masked %reduce_min3A_319 : vector<16xf32>, vector<16xi1> -> vector<16xf32>
        %reduce_min3A_321 = vector.extract %reduce_min3A_320[15] : f32 from vector<16xf32>
        %reduce_min3A_322 = arith.constant true
        %reduce_min3A_323 = vector.broadcast %reduce_min3A_322 : i1 to vector<16xi1>
        %reduce_min3A_324 = tpu.scan <min>, %select_n3A_244 masked %reduce_min3A_323 : vector<16xf32>, vector<16xi1> -> vector<16xf32>
        %reduce_min3A_325 = vector.extract %reduce_min3A_324[15] : f32 from vector<16xf32>
        %reduce_max3A = arith.constant true
        %reduce_max3A_326 = vector.broadcast %reduce_max3A : i1 to vector<16xi1>
        %reduce_max3A_327 = arith.constant -2147483648 : i32
        %reduce_max3A_328 = vector.broadcast %reduce_max3A_327 : i32 to vector<16xi32>
        %reduce_max3A_329 = arith.xori %get3A_116, %reduce_max3A_328 : vector<16xi32>
        %reduce_max3A_330 = tpu.scan <max>, %reduce_max3A_329 masked %reduce_max3A_326 : vector<16xi32>, vector<16xi1> -> vector<16xi32>
        %reduce_max3A_331 = arith.xori %reduce_max3A_330, %reduce_max3A_328 : vector<16xi32>
        %reduce_max3A_332 = vector.extract %reduce_max3A_331[15] : i32 from vector<16xi32>
        scf.yield %reduce_min3A_321, %reduce_min3A_325, %reduce_max3A_332 : f32, f32, i32
      }
      %scan3A_106 = arith.constant 128 : i32
      scf.yield %scan3A_105#0, %scan3A_105#1, %scan3A_105#2 : f32, f32, i32
    }
    %scan3A_53 = arith.constant 32 : i32
    %run_scoped3A = arith.constant 0 : i32
    "tpu.region"() ({
      %run_scoped3A_57 = tpu.sem_alloc : memref<!tpu.dma_semaphore, #tpu.memory_space<semaphore_mem>>
      %dma_start3A_58 = arith.constant 0 : i32
      %dma_start3A_59 = tpu.memref_slice %arg7[%add3A, %run_scoped3A, %dma_start3A_58] : memref<32x4x8192xf32, #tpu.memory_space<hbm>> -> memref<1x1x8192xf32, #tpu.memory_space<hbm>>
      %dma_start3A_60 = tpu.memref_squeeze %dma_start3A_59 : memref<1x1x8192xf32, #tpu.memory_space<hbm>> -> memref<8192xf32, #tpu.memory_space<hbm>>
      %dma_start3A_61 = arith.constant 0 : i32
      %dma_start3A_62 = tpu.memref_slice %arg7[%add3A, %run_scoped3A, %dma_start3A_61] : memref<32x4x8192xf32, #tpu.memory_space<hbm>> -> memref<1x1x8192xf32, #tpu.memory_space<hbm>>
      %dma_start3A_63 = tpu.memref_squeeze %dma_start3A_62 : memref<1x1x8192xf32, #tpu.memory_space<hbm>> -> memref<8192xf32, #tpu.memory_space<hbm>>
      tpu.enqueue_dma source(%arg13 : memref<8192xf32, #tpu.memory_space<vmem>>) target(%dma_start3A_63 : memref<8192xf32, #tpu.memory_space<hbm>>) target_semaphore(%run_scoped3A_57 : memref<!tpu.dma_semaphore, #tpu.memory_space<semaphore_mem>>)
      %dma_wait3A = arith.constant 0 : i32
      %dma_wait3A_64 = tpu.memref_slice %arg7[%add3A, %run_scoped3A, %dma_wait3A] : memref<32x4x8192xf32, #tpu.memory_space<hbm>> -> memref<1x1x8192xf32, #tpu.memory_space<hbm>>
      %dma_wait3A_65 = tpu.memref_squeeze %dma_wait3A_64 : memref<1x1x8192xf32, #tpu.memory_space<hbm>> -> memref<8192xf32, #tpu.memory_space<hbm>>
      %dma_wait3A_66 = arith.constant 0 : i32
      %dma_wait3A_67 = tpu.memref_slice %arg7[%add3A, %run_scoped3A, %dma_wait3A_66] : memref<32x4x8192xf32, #tpu.memory_space<hbm>> -> memref<1x1x8192xf32, #tpu.memory_space<hbm>>
      %dma_wait3A_68 = tpu.memref_squeeze %dma_wait3A_67 : memref<1x1x8192xf32, #tpu.memory_space<hbm>> -> memref<8192xf32, #tpu.memory_space<hbm>>
      tpu.wait_dma2 semaphore(%run_scoped3A_57 : memref<!tpu.dma_semaphore, #tpu.memory_space<semaphore_mem>>) src(%arg13 : memref<8192xf32, #tpu.memory_space<vmem>>) dst(%dma_wait3A_68 : memref<8192xf32, #tpu.memory_space<hbm>>)
      tpu.yield
    }) : () -> ()
    %run_scoped3A_54 = arith.constant 1 : i32
    "tpu.region"() ({
      %run_scoped3A_57 = tpu.sem_alloc : memref<!tpu.dma_semaphore, #tpu.memory_space<semaphore_mem>>
      %dma_start3A_58 = arith.constant 0 : i32
      %dma_start3A_59 = tpu.memref_slice %arg7[%add3A, %run_scoped3A_54, %dma_start3A_58] : memref<32x4x8192xf32, #tpu.memory_space<hbm>> -> memref<1x1x8192xf32, #tpu.memory_space<hbm>>
      %dma_start3A_60 = tpu.memref_squeeze %dma_start3A_59 : memref<1x1x8192xf32, #tpu.memory_space<hbm>> -> memref<8192xf32, #tpu.memory_space<hbm>>
      %dma_start3A_61 = arith.constant 0 : i32
      %dma_start3A_62 = tpu.memref_slice %arg7[%add3A, %run_scoped3A_54, %dma_start3A_61] : memref<32x4x8192xf32, #tpu.memory_space<hbm>> -> memref<1x1x8192xf32, #tpu.memory_space<hbm>>
      %dma_start3A_63 = tpu.memref_squeeze %dma_start3A_62 : memref<1x1x8192xf32, #tpu.memory_space<hbm>> -> memref<8192xf32, #tpu.memory_space<hbm>>
      tpu.enqueue_dma source(%arg14 : memref<8192xf32, #tpu.memory_space<vmem>>) target(%dma_start3A_63 : memref<8192xf32, #tpu.memory_space<hbm>>) target_semaphore(%run_scoped3A_57 : memref<!tpu.dma_semaphore, #tpu.memory_space<semaphore_mem>>)
      %dma_wait3A = arith.constant 0 : i32
      %dma_wait3A_64 = tpu.memref_slice %arg7[%add3A, %run_scoped3A_54, %dma_wait3A] : memref<32x4x8192xf32, #tpu.memory_space<hbm>> -> memref<1x1x8192xf32, #tpu.memory_space<hbm>>
      %dma_wait3A_65 = tpu.memref_squeeze %dma_wait3A_64 : memref<1x1x8192xf32, #tpu.memory_space<hbm>> -> memref<8192xf32, #tpu.memory_space<hbm>>
      %dma_wait3A_66 = arith.constant 0 : i32
      %dma_wait3A_67 = tpu.memref_slice %arg7[%add3A, %run_scoped3A_54, %dma_wait3A_66] : memref<32x4x8192xf32, #tpu.memory_space<hbm>> -> memref<1x1x8192xf32, #tpu.memory_space<hbm>>
      %dma_wait3A_68 = tpu.memref_squeeze %dma_wait3A_67 : memref<1x1x8192xf32, #tpu.memory_space<hbm>> -> memref<8192xf32, #tpu.memory_space<hbm>>
      tpu.wait_dma2 semaphore(%run_scoped3A_57 : memref<!tpu.dma_semaphore, #tpu.memory_space<semaphore_mem>>) src(%arg14 : memref<8192xf32, #tpu.memory_space<vmem>>) dst(%dma_wait3A_68 : memref<8192xf32, #tpu.memory_space<hbm>>)
      tpu.yield
    }) : () -> ()
    %run_scoped3A_55 = arith.constant 2 : i32
    "tpu.region"() ({
      %run_scoped3A_57 = tpu.sem_alloc : memref<!tpu.dma_semaphore, #tpu.memory_space<semaphore_mem>>
      %dma_start3A_58 = arith.constant 0 : i32
      %dma_start3A_59 = tpu.memref_slice %arg7[%add3A, %run_scoped3A_55, %dma_start3A_58] : memref<32x4x8192xf32, #tpu.memory_space<hbm>> -> memref<1x1x8192xf32, #tpu.memory_space<hbm>>
      %dma_start3A_60 = tpu.memref_squeeze %dma_start3A_59 : memref<1x1x8192xf32, #tpu.memory_space<hbm>> -> memref<8192xf32, #tpu.memory_space<hbm>>
      %dma_start3A_61 = arith.constant 0 : i32
      %dma_start3A_62 = tpu.memref_slice %arg7[%add3A, %run_scoped3A_55, %dma_start3A_61] : memref<32x4x8192xf32, #tpu.memory_space<hbm>> -> memref<1x1x8192xf32, #tpu.memory_space<hbm>>
      %dma_start3A_63 = tpu.memref_squeeze %dma_start3A_62 : memref<1x1x8192xf32, #tpu.memory_space<hbm>> -> memref<8192xf32, #tpu.memory_space<hbm>>
      tpu.enqueue_dma source(%arg15 : memref<8192xf32, #tpu.memory_space<vmem>>) target(%dma_start3A_63 : memref<8192xf32, #tpu.memory_space<hbm>>) target_semaphore(%run_scoped3A_57 : memref<!tpu.dma_semaphore, #tpu.memory_space<semaphore_mem>>)
      %dma_wait3A = arith.constant 0 : i32
      %dma_wait3A_64 = tpu.memref_slice %arg7[%add3A, %run_scoped3A_55, %dma_wait3A] : memref<32x4x8192xf32, #tpu.memory_space<hbm>> -> memref<1x1x8192xf32, #tpu.memory_space<hbm>>
      %dma_wait3A_65 = tpu.memref_squeeze %dma_wait3A_64 : memref<1x1x8192xf32, #tpu.memory_space<hbm>> -> memref<8192xf32, #tpu.memory_space<hbm>>
      %dma_wait3A_66 = arith.constant 0 : i32
      %dma_wait3A_67 = tpu.memref_slice %arg7[%add3A, %run_scoped3A_55, %dma_wait3A_66] : memref<32x4x8192xf32, #tpu.memory_space<hbm>> -> memref<1x1x8192xf32, #tpu.memory_space<hbm>>
      %dma_wait3A_68 = tpu.memref_squeeze %dma_wait3A_67 : memref<1x1x8192xf32, #tpu.memory_space<hbm>> -> memref<8192xf32, #tpu.memory_space<hbm>>
      tpu.wait_dma2 semaphore(%run_scoped3A_57 : memref<!tpu.dma_semaphore, #tpu.memory_space<semaphore_mem>>) src(%arg15 : memref<8192xf32, #tpu.memory_space<vmem>>) dst(%dma_wait3A_68 : memref<8192xf32, #tpu.memory_space<hbm>>)
      tpu.yield
    }) : () -> ()
    %run_scoped3A_56 = arith.constant 3 : i32
    "tpu.region"() ({
      %run_scoped3A_57 = tpu.sem_alloc : memref<!tpu.dma_semaphore, #tpu.memory_space<semaphore_mem>>
      %dma_start3A_58 = arith.constant 0 : i32
      %dma_start3A_59 = tpu.memref_slice %arg7[%add3A, %run_scoped3A_56, %dma_start3A_58] : memref<32x4x8192xf32, #tpu.memory_space<hbm>> -> memref<1x1x8192xf32, #tpu.memory_space<hbm>>
      %dma_start3A_60 = tpu.memref_squeeze %dma_start3A_59 : memref<1x1x8192xf32, #tpu.memory_space<hbm>> -> memref<8192xf32, #tpu.memory_space<hbm>>
      %dma_start3A_61 = arith.constant 0 : i32
      %dma_start3A_62 = tpu.memref_slice %arg7[%add3A, %run_scoped3A_56, %dma_start3A_61] : memref<32x4x8192xf32, #tpu.memory_space<hbm>> -> memref<1x1x8192xf32, #tpu.memory_space<hbm>>
      %dma_start3A_63 = tpu.memref_squeeze %dma_start3A_62 : memref<1x1x8192xf32, #tpu.memory_space<hbm>> -> memref<8192xf32, #tpu.memory_space<hbm>>
      tpu.enqueue_dma source(%arg16 : memref<8192xf32, #tpu.memory_space<vmem>>) target(%dma_start3A_63 : memref<8192xf32, #tpu.memory_space<hbm>>) target_semaphore(%run_scoped3A_57 : memref<!tpu.dma_semaphore, #tpu.memory_space<semaphore_mem>>)
      %dma_wait3A = arith.constant 0 : i32
      %dma_wait3A_64 = tpu.memref_slice %arg7[%add3A, %run_scoped3A_56, %dma_wait3A] : memref<32x4x8192xf32, #tpu.memory_space<hbm>> -> memref<1x1x8192xf32, #tpu.memory_space<hbm>>
      %dma_wait3A_65 = tpu.memref_squeeze %dma_wait3A_64 : memref<1x1x8192xf32, #tpu.memory_space<hbm>> -> memref<8192xf32, #tpu.memory_space<hbm>>
      %dma_wait3A_66 = arith.constant 0 : i32
      %dma_wait3A_67 = tpu.memref_slice %arg7[%add3A, %run_scoped3A_56, %dma_wait3A_66] : memref<32x4x8192xf32, #tpu.memory_space<hbm>> -> memref<1x1x8192xf32, #tpu.memory_space<hbm>>
      %dma_wait3A_68 = tpu.memref_squeeze %dma_wait3A_67 : memref<1x1x8192xf32, #tpu.memory_space<hbm>> -> memref<8192xf32, #tpu.memory_space<hbm>>
      tpu.wait_dma2 semaphore(%run_scoped3A_57 : memref<!tpu.dma_semaphore, #tpu.memory_space<semaphore_mem>>) src(%arg16 : memref<8192xf32, #tpu.memory_space<vmem>>) dst(%dma_wait3A_68 : memref<8192xf32, #tpu.memory_space<hbm>>)
      tpu.yield
    }) : () -> ()
    return
  }
}

</mosaic_0001>

<sc_bundles>
// kernel: kernel.4.cloned.1.call-start
scs
__scs_entry_jumppad:
0x0: {  	(pc) =	sbr.rel $0x88, $3  }
0x1: {  	(tag) =	ssettag $0x0;
	lr =	simm.s32 $0x1  }
0x2: {  	[smem:$0x3F9E] =	sst lr;
	_ =	strace $0xD0000000  }
0x3: {  	_ = 	snop  }
0x4: {  	_ = 	snop  }
0x5: {  	_ = 	snop  }
0x6: {  	_ = 	snop  }
0x7: {  	_ = 	snop  }
__scs_overlays_trampoline_lowered:
0x8: {  	[smem:$0x3FAD] =	sst s0  }
0x9: {  	[smem:$0x3FAE] =	sst s1  }
0xa: {  	[smem:$0x3FAF] =	sst s2  }
0xb: {  	[smem:$0x3FB0] =	sst s3  }
0xc: {  	[smem:$0x3FB1] =	sst s4  }
0xd: {  	[smem:$0x3FB2] =	sst s5  }
0xe: {  	[smem:$0x3FB3] =	sst s6  }
0xf: {  	[smem:$0x3FB4] =	sst s7  }
0x10: {  	[smem:$0x3FB5] =	sst s8  }
0x11: {  	[smem:$0x3FB6] =	sst s9;
	s0 =	simm.s32 @!p0 $0x0  }
0x12: {  	s1 =	sld [smem:$0x3F9C];
	s0 =	simm.s32 @p0 $0x1  }
0x13: {  	[smem:$0x3FB7] =	sst s0;
	s0 =	simm.s32 @!p1 $0x0  }
0x14: {  	s2 =	sld [smem:$0x3F9B];
	s0 =	simm.s32 @p1 $0x1  }
0x15: {  	[smem:$0x3FB8] =	sst s0;
	s0 =	simm.s32 @!p2 $0x0  }
0x16: {  	s3 =	sld [smem:$0x3FDB];
	s0 =	simm.s32 @p2 $0x1  }
0x17: {  	s4 =	simm.s32 $0x1BF5;
	[smem:$0x3FBA] =	sst s0  }
0x18: {  	s0 =	sld [smem:$0x3F9D];
	_ =	swait.ge [sflag:s4], $0x0  }
0x19: {  	s7 =	sld [smem:$0x3F9E]  }
0x1a: {  	s8 =	sadd.s32 $0xFFFFE003, lr  }
0x1b: {  	s9 =	sadd.s32 $0xFFFFFEF7, lr;
	s5 =	simm.s32 $0xFFFFFFFF;
	p2 =	slt.u32 s8, $0xFFFFF086  }
0x1c: {  	p1 =	slt.u32 s9, $0xF7A;
	s5 =	simm.s32 @!p2 $0x0  }
0x1d: {  	s5 =	simm.s32 @p1 $0x1;
	p0 =	seq.s32 s7, s2  }
0x1e: {  	s7 =	smul.u32 @!p0 $0xF7A, s2;
	p2 =	seq.s32 @!p0 s5, $0x0  }
0x1f: {  	s9 =	smul.u32 $0xF7A, s1;
	s8 =	simm.s32 @!p0 $0x1BF5;
	p2 =	por !p2, p0  }
0x20: {  	[sflag:s8] =	ssyncset.s32 @!p0 $0xFFFFF086;
	s6 =	sadd.s32 @!p0 s3, s7;
	s7 =	simm.s32 @!p0 $0x108  }
0x21: {  	s3 =	sadd.s32 s3, s9;
	s6 =	sadd.s32 @!p0 $0x88, s6;
	s7 =	simm.s32 @p2 $0x1082  }
0x22: {  	[simem:s7], [sflag:s8] =	dma.local @!p0 [hbm:s6], $0xF7A  }
0x23: {  	s9 =	sor.u32 $0xD0000000, s2;
	s6 =	simm.s32 $0x108;
	_ =	swait.ge @!p0 [sflag:s8], $0x0  }
0x24: {  	s3 =	sadd.s32 $0x88, s3;
	s6 =	simm.s32 @!p1 $0x1082;
	[sflag:s4] =	ssyncset.s32 $0xFFFFF086  }
0x25: {  	[simem:s6], [sflag:s4] =	dma.local [hbm:s3], $0xF7A  }
0x26: {  	[smem:$0x3F9E] =	sst s1;
	(tag) =	ssettag s2;
	_ =	strace s9  }
0x27: {  	s1 =	sld [smem:$0x3FAE]  }
0x28: {  	s2 =	sld [smem:$0x3FAF]  }
0x29: {  	s4 =	sld [smem:$0x3FB1]  }
0x2a: {  	p0 =	seq.s32 s5, $0x0;
	s5 =	sld [smem:$0x3FB2]  }
0x2b: {  	s6 =	sld [smem:$0x3FB3]  }
0x2c: {  	s7 =	sld [smem:$0x3FB4]  }
0x2d: {  	s3 =	simm.s32 $0x108;
	s8 =	sld [smem:$0x3FB5]  }
0x2e: {  	s3 =	simm.s32 @!p0 $0x1082;
	s9 =	sld [smem:$0x3FB6]  }
0x2f: {  	lr =	sadd.s32 s0, s3;
	s0 =	sld [smem:$0x3FAD]  }
0x30: {  	s3 =	sld [smem:$0x3FB0]  }
0x31: {  	[smem:$0x3FB9] =	sst s10  }
0x32: {  	s10 =	sld [smem:$0x3FB7];
	_ =	sdelay $0x3  }
0x33: {  	p0 =	seq.s32 s10, $0x1;
	s10 =	sld [smem:$0x3FB9];
	_ =	sdelay $0x3  }
0x34: {  	[smem:$0x3FB9] =	sst s10  }
0x35: {  	s10 =	sld [smem:$0x3FB8];
	_ =	sdelay $0x3  }
0x36: {  	p1 =	seq.s32 s10, $0x1;
	s10 =	sld [smem:$0x3FB9];
	_ =	sdelay $0x3  }
0x37: {  	[smem:$0x3FB9] =	sst s10  }
0x38: {  	s10 =	sld [smem:$0x3FBA]  }
0x39: {  	_ = 	snop;
	(pc) =	sbr.ind lr, $3  }
0x3a: {  	_ = 	snop  }
0x3b: {  	_ = 	snop  }
0x3c: {  	p2 =	seq.s32 s10, $0x1;
	s10 =	sld [smem:$0x3FB9]  }
0x3d: {  	_ =	shalt  }
0x3e: {  	_ =	shalt  }
0x3f: {  	_ =	shalt  }
0x40: {  	_ =	shalt  }
0x41: {  	_ =	shalt  }
0x42: {  	_ =	shalt  }
0x43: {  	_ =	shalt  }
0x44: {  	_ =	shalt  }
0x45: {  	_ =	shalt  }
0x46: {  	_ =	shalt  }
0x47: {  	_ =	shalt  }
0x48: {  	_ =	shalt  }
0x49: {  	_ =	shalt  }
0x4a: {  	_ =	shalt  }
0x4b: {  	_ =	shalt  }
0x4c: {  	_ =	shalt  }
0x4d: {  	_ =	shalt  }
0x4e: {  	_ =	shalt  }
0x4f: {  	_ =	shalt  }
0x50: {  	_ =	shalt  }
0x51: {  	_ =	shalt  }
0x52: {  	_ =	shalt  }
0x53: {  	_ =	shalt  }
0x54: {  	_ =	shalt  }
0x55: {  	_ =	shalt  }
0x56: {  	_ =	shalt  }
0x57: {  	_ =	shalt  }
0x58: {  	_ =	shalt  }
0x59: {  	_ =	shalt  }
0x5a: {  	_ =	shalt  }
0x5b: {  	_ =	shalt  }
0x5c: {  	_ =	shalt  }
0x5d: {  	_ =	shalt  }
0x5e: {  	_ =	shalt  }
0x5f: {  	_ =	shalt  }
0x60: {  	_ =	shalt  }
0x61: {  	_ =	shalt  }
0x62: {  	_ =	shalt  }
0x63: {  	_ =	shalt  }
0x64: {  	_ =	shalt  }
0x65: {  	_ =	shalt  }
0x66: {  	_ =	shalt  }
0x67: {  	_ =	shalt  }
0x68: {  	_ =	shalt  }
0x69: {  	_ =	shalt  }
0x6a: {  	_ =	shalt  }
0x6b: {  	_ =	shalt  }
0x6c: {  	_ =	shalt  }
0x6d: {  	_ =	shalt  }
0x6e: {  	_ =	shalt  }
0x6f: {  	_ =	shalt  }
0x70: {  	_ =	shalt  }
0x71: {  	_ =	shalt  }
0x72: {  	_ =	shalt  }
0x73: {  	_ =	shalt  }
0x74: {  	_ =	shalt  }
0x75: {  	_ =	shalt  }
0x76: {  	_ =	shalt  }
0x77: {  	_ =	shalt  }
0x78: {  	_ =	shalt  }
0x79: {  	_ =	shalt  }
0x7a: {  	_ =	shalt  }
0x7b: {  	_ =	shalt  }
0x7c: {  	_ =	shalt  }
0x7d: {  	_ =	shalt  }
0x7e: {  	_ =	shalt  }
0x7f: {  	_ =	shalt  }
0x80: {  	_ =	shalt  }
0x81: {  	_ =	shalt  }
0x82: {  	_ =	shalt  }
0x83: {  	_ =	shalt  }
0x84: {  	_ =	shalt  }
0x85: {  	_ =	shalt  }
0x86: {  	_ =	shalt  }
0x87: {  	_ =	shalt  }
.Lfunc_end0:
.L_simem_size_0:
called_computation_lowered:
.L_overlay_start_0:
0x88: {  	s2 =	sld [smem:$0x3FD9]  }
0x89: {  	s3 =	sld [smem:$0x3FFE];
	_ =	sdelay $0x1  }
0x8a: {  	s1 =	srdreg.scid  }
0x8b: {  	s0 =	sand.u32 $0x1, s1  }
0x8c: {  	s17 =	sshll.u32 s0, $0xA;
	s2 =	sadd.s32 s3, s2  }
0x8d: {  	s2 =	sadd.s32 s2, s17  }
0x8e: {  	[smem:$0x3FC5] =	sst s2  }
0x8f: {  	_ = 	snop  }
0x90: {  	s2 =	sld [smem:$0x3FC9]  }
0x91: {  	s18 =	sld [smem:$0x3FC7];
	(tm) =	ssettm $0x1  }
0x92: {  	s4 =	sld [smem:$0x3FFB];
	_ =	sdelay $0x3  }
0x93: {  	_ =	strace s4  }
0x94: {  	s4 =	sld [smem:$0x3FFC];
	_ =	sdelay $0x3  }
0x95: {  	_ =	strace s4  }
0x96: {  	s4 =	sld [smem:$0x3FFD];
	_ =	sdelay $0x3  }
0x97: {  	_ =	strace s4  }
0x98: {  	_ =	strace $0x8FFFFFFF  }
0x99: {  	s19 =	sld [smem:$0x3FDB];
	_ =	sdelay $0x1  }
0x9a: {  	s5 =	simm.s32 $_scs_section_size  }
0x9b: {  	s6 =	simm.s32 $_size__tile_overlayer_lowered;
	s7 =	simm.s32 $_tile_overlayer_lowered  }
0x9c: {  	s22 =	simm.s32 $0x1BFF;
	s21 =	sshll.u32 s7, $0x1;
	s4 =	sadd.s32 s5, s19  }
0x9d: {  	s8 =	simm.s32 $0x0;
	s20 =	sshll.u32 s6, $0x1;
	s6 =	sadd.s32 s21, s4  }
0x9e: {  	[timem:s8], [sflag:s22] =	dma.local [hbm:s6], s20  }
0x9f: {  	_ =	swait.ge [sflag:s22], s20  }
0xa0: {  	s5 =	ssub.s32 $0x0, s20;
	[sflag:s22] =	ssyncset.done $0x0  }
0xa1: {  	[sflag:s22] =	ssyncadd.s32 s5;
	_ =	sdelay $0x1  }
0xa2: {  	s23 =	simm.s32 $0x1B8B  }
0xa3: {  	_ =	swait.ge [sflag:s23], $0x1  }
0xa4: {  	[sflag:s23] =	ssyncset.done $0x0  }
0xa5: {  	s25 =	simm.s32 $0x1B8E;
	s24 =	sld [smem:$0x3FFE];
	[sflag:s23] =	ssyncadd.s32 $0xFFFFFFFF  }
0xa6: {  	s26 =	simm.s32 $execute0_lowered;
	[smem:$0x3FD2] =	sst s25  }
0xa7: {  	s6 =	sshll.u32 s26, $0x1;
	_ =	strace $0x80000046;
	[dreg:$0x1] =	wrdreg $0xFFFFFFFF  }
0xa8: {  	s28 =	simm.s32 $_size_execute0_lowered;
	s4 =	sadd.s32 s4, s6;
	[dreg:$0x0] =	wrdreg $0x0  }
0xa9: {  	s6 =	sshll.u32 s28, $0x1;
	[dreg:$0x2] =	wrdreg s4  }
0xaa: {  	[dreg:$0x3] =	wrdreg s6  }
0xab: {  	[dreg:$0x4] =	wrdreg $0xC0  }
0xac: {  	_ =	task [dreg:s8], $0x5FFFF  }
0xad: {  	[dreg:$0x1] =	wrdreg $0xFFFFFFFF  }
0xae: {  	[dreg:$0x0] =	wrdreg $0x60  }
0xaf: {  	[dreg:$0x2] =	wrdreg s2  }
0xb0: {  	[dreg:$0x3] =	wrdreg s24  }
0xb1: {  	[dreg:$0x4] =	wrdreg s18  }
0xb2: {  	[dreg:$0x5] =	wrdreg $0x9  }
0xb3: {  	_ =	task.clear_ibuf [dreg:s8], $0x6FFFF;
	_ =	strace $0x90000046  }
0xb4: {  	s29 =	simm.s32 $0x9;
	_ =	strace $0x80000048  }
0xb5: {  	_ =	swait.ge [sflag:s29], $0x1  }
0xb6: {  	[sflag:s29] =	ssyncadd.s32 $0xFFFFFFFF  }
0xb7: {  	_ =	strace $0x90000048  }
0xb8: {  	_ =	sfence  }
0xb9: {  	s30 =	sld [smem:$0x0];
	_ =	sdelay $0x2  }
0xba: {  	s31 =	sshll.u32 s1, $0xD;
	s1 =	sshrl.u32 s1, $0x2  }
0xbb: {  	s3 =	sand.u32 $0x4000, s31;
	s1 =	sadd.s32 s1, s30  }
0xbc: {  	s0 =	sor.u32 s3, s0;
	s1 =	sshll.u32 s1, $0x11  }
0xbd: {  	s0 =	sor.u32 s1, s0  }
0xbe: {  	s0 =	sadd.s32 $0x8F2B, s0  }
0xbf: {  	[sflag:s0] =	ssyncadd.remote.s32 $0x1  }
0xc0: {  	_ =	sfence.sel $0xFFFF  }
0xc1: {  	[dreg:$0x0] =	wrdreg $0xFFFFFFFF;
	(pc) =	sbr.abs _section_cstart, $3  }
0xc2: {  	[dreg:$0x1] =	wrdreg $0xFFFFFFFF  }
0xc3: {  	_ =	task.clear_ibuf [dreg:s8], $0x2FFFF;
	_ =	strace $0x9FFFFFFF  }
0xc4: {  	(tm) =	ssettm $0x7FFFFFFF  }
0xc5: {  	_ =	shalt  }
tec
execute0_lowered:
.L_overlay_start_1:
0x0: {  	(tag) =	ssettag $0x1  }
0x1: {  	s1 =	rddreg [dreg:$0x0]  }
0x2: {  	s0 =	rddreg [dreg:$0x1]  }
0x3: {  	s2 =	rddreg [dreg:$0x2];
	s3 =	simm.s32 $0x0;
	s4 =	srdreg.scid  }
0x4: {  	s9 =	stileid.u32;
	s19 =	simm.s32 $0x1000;
	s28 =	simm.s32 $0x9000  }
0x5: {  	s29 =	simm.s32 $0xB000;
	s30 =	simm.s32 $0x2;
	s4 =	sand.u32 $0x1, s4  }
0x6: {  	s31 =	simm.s32 $0x0;
	[smem:$0x7FF] =	sst s3;
	s8 =	sshll.u32 s4, $0x4  }
0x7: {  	s5 =	sadd.s32 $0x80A00, s0;
	s6 =	sadd.s32 $0x40A00, s0;
	s8 =	sor.u32 s9, s8  }
0x8: {  	s7 =	sadd.s32 $0xA00, s0;
	s9 =	sshll.u32 s8, $0xC;
	s8 =	sshll.u32 s8, $0xD  }
0x9: {  	v2 =	vimm.s32 $0xFFEDCBA9;
	v3 =	vimm.s32 $0x87654321;
	_ =	strace $0x80000047;
	s4 =	ssub.s32 $0x2, s4;
	s22 =	sadd.s32 s1, s8  }
0xa: {  	v1 =	vimm.s32 $0xEDCBA987;
	v2 =	vunpack.c.l.s4.s8 v2;
	v3 =	vunpack.c.l.s4.s8 v3;
	s10 =	sshrl.u32 s4, $0x1;
	s23 =	sadd.s32 s2, s8;
	[dreg:$0x4] =	wrdreg s22  }
0xb: {  	v0 =	vimm.s32 $0x65432100;
	v1 =	vunpack.c.l.s4.s8 v1;
	s4 =	ssub.s32 s4, s10;
	s24 =	sadd.s32 s5, s8;
	[dreg:$0x5] =	wrdreg s23  }
0xc: {  	v0 =	vunpack.c.l.s4.s8 v0;
	v2 =	vunpack.c.0.s8.s32 v2;
	v3 =	vunpack.c.0.s8.s32 v3;
	s0 =	sadd.s32 s9, s0;
	s25 =	sadd.s32 s6, s8;
	[dreg:$0x6] =	wrdreg s24  }
0xd: {  	vm0 =	vcmask $0x3F3C;
	v1 =	vunpack.c.0.s8.s32 v1;
	s26 =	sadd.s32 s7, s8;
	s18 =	smax.u32 s4, $0x1;
	[dreg:$0x7] =	wrdreg s25  }
0xe: {  	v4 =	vunpack.c.0.s8.s32 v0;
	v0 =	vimm.f32 $0.0e+00;
	v6 =	vcombine.low v3, v2;
	[dreg:$0x8] =	wrdreg s26;
	s14 =	sadd.s32 $0xC0A00, s0;
	s15 =	sadd.s32 $0xC0E00, s0  }
0xf: {  	v5 =	vand.u32 $0xF, v1;
	v1 =	vimm.f32 $1.000000000e+00;
	v3 =	vlaneseq.u32;
	s16 =	sadd.s32 $0xC1200, s0;
	s17 =	sadd.s32 $0xC1600, s0;
	s23 =	simm.s32 $0x1  }
0x10: {  	s24 =	simm.s32 $0xD000;
	v2 =	vcombine.low v4, v5;
	s25 =	simm.s32 $0x5000;
	s26 =	simm.s32 $0x7000;
	v5 =	vor.u32 $0x80000000, v3;
	v4 =	vand.u32 $0xF, v6  }
.LBB2_1:
0x11: {  	s4 =	simm.s32 $0x40;
	s0 =	simm.s32 $0x0  }
.LBB2_2:
0x12: {  	p0 =	sne.s32 s4, $0x7FC0;
	[tilespmem:s0+$0xB000] =	vst v1;
	s9 =	smov.u32 s4;
	s4 =	sadd.s32 $0x40, s4  }
.Ltmp0:
0x13: {  	[tilespmem:s0+$0x9000] =	vst v0;
	(pc) =	sbr.rel @p0 .LBB2_2-.Ltmp0, $3  }
0x14: {  	[tilespmem:s0+$0x5000] =	vst v0  }
0x15: {  	[tilespmem:s0+$0x7000] =	vst v0;
	_ =	sdelay $0x1  }
0x16: {  	s0 =	sshra.s32 s9, $0x2  }
0x17: {  	[tilespmem:s0+$0xB000] =	vst v1  }
0x18: {  	[tilespmem:s0+$0x9000] =	vst v0  }
0x19: {  	[tilespmem:s0+$0x5000] =	vst v0  }
0x1a: {  	[tilespmem:s0+$0x7000] =	vst v0;
	s0 =	simm.s32 $0x0;
	s4 =	rddreg [dreg:$0x4]  }
0x1b: {  	[tilespmem:s0], [sflag:$0x1] =	stream.linear.gather [hbm4b:s4+s0], $0x800, $0x38;
	[tilespmem:$0xD040] =	vst v63  }
0x1c: {  	s11 =	rddreg [dreg:$0x5]  }
0x1d: {  	[tilespmem:s19], [sflag:$0x1] =	stream.linear.gather [hbm4b:s11+s0], $0x800, $0x38;
	[tilespmem:$0xD040] =	vst v63  }
0x1e: {  	s12 =	rddreg [dreg:$0x6];
	s9 =	simm.s32 $0x2000  }
0x1f: {  	[tilespmem:s9], [sflag:$0x1] =	stream.linear.gather [hbm4b:s12+s0], $0x800, $0x38;
	[tilespmem:$0xD040] =	vst v63  }
0x20: {  	s13 =	rddreg [dreg:$0x7];
	s20 =	simm.s32 $0x3000  }
0x21: {  	[tilespmem:s20], [sflag:$0x1] =	stream.linear.gather [hbm4b:s13+s0], $0x800, $0x38;
	[tilespmem:$0xD040] =	vst v63  }
0x22: {  	s21 =	rddreg [dreg:$0x8];
	s22 =	simm.s32 $0x4000;
	p0 =	por $0x0, $0x0  }
0x23: {  	[tilespmem:s22], [sflag:$0x1] =	stream.linear.gather [hbm4b:s21+s0], $0x800, $0x38;
	[tilespmem:$0xD040] =	vst v63  }
0x24: {  	s20 =	simm.f32 $0.0e+00;
	s21 =	simm.f32 $0.0e+00;
	s22 =	simm.s32 $0xFFFFFFFF  }
.LBB2_5:
0x25: {  	_ =	swait.ge [sflag:s23], $0x800  }
0x26: {  	[sflag:s23] =	ssyncset.done $0x0  }
0x27: {  	[sflag:s23] =	ssyncadd.s32 $0xFFFFF800  }
0x28: {  	_ =	swait.ge [sflag:s23], $0x800  }
0x29: {  	[sflag:s23] =	ssyncset.done $0x0  }
0x2a: {  	[sflag:s23] =	ssyncadd.s32 $0xFFFFF800  }
0x2b: {  	_ =	swait.ge [sflag:s23], $0x800  }
0x2c: {  	[sflag:s23] =	ssyncset.done $0x0  }
0x2d: {  	[sflag:s23] =	ssyncadd.s32 $0xFFFFF800  }
0x2e: {  	_ =	swait.ge [sflag:s23], $0x800  }
0x2f: {  	s4 =	smov.u32 s0;
	s0 =	sadd.s32 $0x1, s0;
	[sflag:s23] =	ssyncset.done $0x0  }
0x30: {  	p1 =	seq.s32 s4, $0x1F;
	s4 =	simm.s32 $0x1;
	[sflag:s23] =	ssyncadd.s32 $0xFFFFF800  }
0x31: {  	s9 =	sshll.u32 @!p1 s0, $0x8;
	s10 =	sshll.u32 @!p1 s0, $0xB;
	_ =	swait.ge [sflag:s23], $0x800  }
0x32: {  	s12 =	simm.s32 @!p1 $0x0;
	s9 =	sadd.s32 @!p1 s8, s9;
	[sflag:s23] =	ssyncset.done $0x0  }
0x33: {  	s10 =	sand.u32 @!p1 $0x800, s10;
	s11 =	sadd.s32 @!p1 s1, s9;
	[sflag:s23] =	ssyncadd.s32 $0xFFFFF800  }
0x34: {  	[tilespmem:s10], [sflag:$0x1] =	stream.linear.gather @!p1 [hbm4b:s11+s12], $0x800, $0x38;
	[tilespmem:$0xD040] =	vst v63  }
0x35: {  	s4 =	simm.s32 @!p0 $0x0;
	s13 =	sadd.s32 @!p1 s2, s9;
	s11 =	sor.u32 @!p1 $0x1000, s10  }
0x36: {  	[tilespmem:s11], [sflag:$0x1] =	stream.linear.gather @!p1 [hbm4b:s13+s12], $0x800, $0x38;
	[tilespmem:$0xD040] =	vst v63  }
0x37: {  	s4 =	sshll.u32 s4, $0xB;
	s11 =	sor.u32 @!p1 $0x2000, s10;
	s13 =	sadd.s32 @!p1 s5, s9  }
0x38: {  	[tilespmem:s11], [sflag:$0x1] =	stream.linear.gather @!p1 [hbm4b:s13+s12], $0x800, $0x38;
	[tilespmem:$0xD040] =	vst v63  }
0x39: {  	v6 =	vmov s4;
	s11 =	sor.u32 @!p1 $0x3000, s10;
	s13 =	sadd.s32 @!p1 s6, s9  }
0x3a: {  	[tilespmem:s11], [sflag:$0x1] =	stream.linear.gather @!p1 [hbm4b:s13+s12], $0x800, $0x38;
	[tilespmem:$0xD040] =	vst v63  }
0x3b: {  	s10 =	sor.u32 @!p1 $0x4000, s10;
	s9 =	sadd.s32 @!p1 s7, s9  }
0x3c: {  	[tilespmem:s10], [sflag:$0x1] =	stream.linear.gather @!p1 [hbm4b:s9+s12], $0x800, $0x38;
	[tilespmem:$0xD040] =	vst v63  }
0x3d: {  	s9 =	simm.s32 $0x0  }
0x3e: {  	v7 =	vld.idx.msk [tilespmem:v6+s9+$0x0 ss:$0x1], $0xffff;
	_ =	sdelay $0x4  }
0x3f: {  	v7 =	vadd.f32 $-4.595119950e+00, v7;
	_ =	sdelay $0x1  }
0x40: {  	v7 =	vmul.f32 $1.442695020e+00, v7;
	_ =	sdelay $0x1  }
0x41: {  	(erf) = vpow2.f32 v7;
	_ =	sdelay $0x8  }
0x42: {  	v7 =	vpop (erf)  }
0x43: {  	v8 =	vadd.f32 $1.000000000e+00, v7;
	_ =	sdelay $0x1  }
0x44: {  	v7 =	vand.u32 $0x7FFFFF, v8  }
0x45: {  	v7 =	vor.u32 $0x3F800000, v7  }
0x46: {  	v9 =	vmul.f32 $5.000000000e-01, v7  }
0x47: {  	vm1 =	vgt.f32 v7, $1.414213540e+00  }
0x48: {  	v7 =	vsel vm1, v9, v7  }
0x49: {  	v9 =	vadd.f32 $-1.000000000e+00, v7;
	_ =	sdelay $0x1  }
0x4a: {  	v7 =	vmul.f32 $1.144843550e-01, v9;
	_ =	sdelay $0x1  }
0x4b: {  	v7 =	vadd.f32 $-1.862769720e-01, v7;
	_ =	sdelay $0x1  }
0x4c: {  	v7 =	vmul.f32 v7, v9;
	_ =	sdelay $0x1  }
0x4d: {  	v7 =	vadd.f32 $2.061178540e-01, v7;
	_ =	sdelay $0x1  }
0x4e: {  	v7 =	vmul.f32 v7, v9;
	_ =	sdelay $0x1  }
0x4f: {  	v7 =	vadd.f32 $-2.491120990e-01, v7;
	_ =	sdelay $0x1  }
0x50: {  	v7 =	vmul.f32 v7, v9;
	_ =	sdelay $0x1  }
0x51: {  	v7 =	vadd.f32 $3.330481350e-01, v7;
	_ =	sdelay $0x1  }
0x52: {  	v7 =	vmul.f32 v7, v9;
	_ =	sdelay $0x1  }
0x53: {  	v10 =	vor.u32 s4, v2;
	s13 =	sor.u32 $0x1000, s4;
	v11 =	vadd.f32 $-5.000129340e-01, v7  }
0x54: {  	v7 =	vmov s13  }
0x55: {  	v8 =	vshra.s32 v8, $0x17;
	v11 =	vmul.f32 v11, v9  }
0x56: {  	v8 =	vadd.s32 $0xFFFFFF81, v8  }
0x57: {  	v8 =	vcvt.s32.f32 v8;
	v12 =	vadd.f32 $1.000003100e+00, v11  }
0x58: {  	v10 =	vld.idx.msk [tilespmem:v10+s19+$0x0], $0xffff;
	v11 =	vsel vm1, $0x3F800000, v0  }
0x59: {  	v8 =	vadd.f32 v8, v11;
	v11 =	vld.idx.msk [tilespmem:v7+s9+$0x0 ss:$0x1], $0xffff;
	v9 =	vmul.f32 v12, v9;
	_ =	sdelay $0x1  }
0x5a: {  	v8 =	vmul.f32 $6.931471820e-01, v8;
	v9 =	vadd.f32 $3.342326950e-08, v9  }
0x5b: {  	vm1 =	veq.s32 v3, $0x0  }
0x5c: {  	v8 =	vadd.f32 v9, v8;
	v9 =	vsel vm1, s22, v10  }
0x5d: {  	vm2 =	veq.s32 v11, v9;
	v9 =	vxor.u32 $0x80000000, v11  }
0x5e: {  	v12 =	vmul.f32 $-5.000000000e-01, v8;
	v8 =	vsel vm2, $0x7FFFFFFF, v5;
	(xrf0) =	vmax.scan.msk.u32 $0xffff, v9  }
0x5f: {  	(xrf0) =	vmax.scan.msk.u32 $0xffff, v8  }
0x60: {  	(xrf2) =	vadd.scan.msk.f32 $0xffff, v12;
	_ =	sdelay $0x1  }
0x61: {  	s11 =	sor.u32 $0x3000, s4  }
0x62: {  	s12 =	sor.u32 $0x2000, s4;
	v8 =	vmov s11  }
0x63: {  	v9 =	vmov s12;
	v13, _, _ =	vpop (xrf0)  }
0x64: {  	v14, _, _ =	vpop (xrf0)  }
0x65: {  	s13 =	sor.u32 $0x4000, s4;
	v16 =	vxor.u32 $0x80000000, v14  }
0x66: {  	v10 =	vmov s13;
	vm2 =	vlt.s32 v16, $0x1  }
0x67: {  	v17 =	vor.u32 s4, v4;
	v15 =	vld.idx.msk [tilespmem:v8+s9+$0x0 ss:$0x1], $0xffff;
	v16 =	vsel vm2, $0x1, v16  }
0x68: {  	v18 =	vld.idx.msk [tilespmem:v9+s9+$0x0 ss:$0x1], $0xffff;
	v19 =	vadd.s32 $0xFFFFFFFF, v16  }
0x69: {  	v21, _, _ =	vpop (xrf2)  }
0x6a: {  	v21 =	vadd.f32 s20, v21  }
0x6b: {  	v20 =	vld.idx.msk [tilespmem:v10+s9+$0x0 ss:$0x1], $0xffff  }
0x6c: {  	v17 =	vld.idx.msk [tilespmem:v17+s19+$0x0], $0xffff;
	v15 =	vsub.f32 $0.0e+00, v15;
	[tilespmem:$0xD000] =	vst v21  }
0x6d: {  	v18 =	vsub.f32 $0.0e+00, v18;
	v19 =	vld.idx.msk [tilespmem:v19+s24+$0x0], $0xffff  }
0x6e: {  	v15 =	vmul.f32 $1.442695020e+00, v15  }
0x6f: {  	v18 =	vmul.f32 $1.442695020e+00, v18  }
0x70: {  	(erf) = vpow2.f32 v15;
	v15 =	vsub.f32 $0.0e+00, v20  }
0x71: {  	vm3 =	vlt.s32 v14, $0x0;
	(erf) = vpow2.f32 v18  }
0x72: {  	v12 =	vsub.f32 v21, v12;
	v15 =	vmul.f32 $1.442695020e+00, v15;
	v14 =	vsel vm2, s20, v19  }
0x73: {  	v14 =	vnsel vm3, s21, v14  }
0x74: {  	(erf) = vpow2.f32 v15;
	v12 =	vsub.f32 v12, v14;
	_ =	sdelay $0x1  }
0x75: {  	v12 =	vmul.f32 $1.442695020e+00, v12  }
0x76: {  	v15 =	vsub.f32 v21, v14;
	_ =	sdelay $0x1  }
0x77: {  	v18 =	vpop (erf);
	v15 =	vmul.f32 $1.442695020e+00, v15  }
0x78: {  	v18 =	vadd.f32 $1.000000000e+00, v18;
	(erf) = vpow2.f32 v12;
	v12 =	vpop (erf)  }
0x79: {  	(erf) = vpow2.f32 v15;
	v12 =	vadd.f32 $1.000000000e+00, v12  }
0x7a: {  	(erf) = vrcp.f32 v18  }
0x7b: {  	v15 =	vpop (erf);
	(erf) = vrcp.f32 v12;
	_ =	sdelay $0x1  }
0x7c: {  	v12 =	vadd.f32 $1.000000000e+00, v15;
	_ =	sdelay $0x1  }
0x7d: {  	(erf) = vrcp.f32 v12;
	_ =	sdelay $0x1  }
0x7e: {  	(xrf0) =	vmin.scan.msk.f32 $0xffff, v21;
	v15 =	vpop (erf)  }
0x7f: {  	v12 =	vpop (erf)  }
0x80: {  	(xrf0) =	vmin.scan.msk.f32 $0xffff, v14;
	v14 =	vsub.f32 v15, v12;
	v15 =	vpop (erf)  }
0x81: {  	v18 =	vpop (erf)  }
0x82: {  	v18 =	vmul.f32 v14, v18;
	_ =	sdelay $0x1  }
0x83: {  	v19, _, _ =	vpop (xrf0)  }
0x84: {  	(v2sf) =	vpush v13, $0xF;
	v15 =	vmul.f32 v14, v15;
	v13 =	vpop (erf)  }
0x85: {  	(v2sf) =	vpush v19, $0xF;
	(xrf2) =	vadd.scan.msk.f32 $0xffff, v18;
	v13 =	vmul.f32 v14, v13;
	v18, _, _ =	vpop (xrf0)  }
0x86: {  	(xrf2) =	vadd.scan.msk.f32 $0xffff, v15;
	(v2sf) =	vpush v18, $0xF  }
0x87: {  	(xrf2) =	vadd.scan.msk.f32 $0xffff, v13;
	_ =	sdelay $0x6  }
0x88: {  	v18 =	vadd.s32 $0xF, v16  }
0x89: {  	v19 =	vadd.s32 $0x1F, v16;
	v13, _, _ =	vpop (xrf2)  }
0x8a: {  	v20 =	vadd.s32 $0x2F, v16;
	v14, _, _ =	vpop (xrf2);
	[tilespmem:$0xD010] =	vst v13  }
0x8b: {  	[tilespmem:$0xD020] =	vst v14;
	v15, _, _ =	vpop (xrf2)  }
0x8c: {  	[tilespmem:$0xD030] =	vst v15  }
0x8d: {  	s22 =	spop (v2sf);
	v16 =	vld.idx.msk [tilespmem:v18+s24+$0x0], $0xffff  }
0x8e: {  	vm3 =	vne.s32 v17, v11;
	s20 =	spop (v2sf);
	v17 =	vld.idx.msk [tilespmem:v19+s24+$0x0], $0xffff  }
0x8f: {  	s9 =	simm.s32 $0x40;
	vm3 =	vmor vm3, vm0;
	s22 =	sxor.u32 $0x80000000, s22;
	v18 =	vld.idx.msk [tilespmem:v20+s24+$0x0], $0xffff;
	s21 =	spop (v2sf)  }
.LBB2_6:
0x90: {  	p1 =	seq.s32 s9, $0x1FC0  }
0x91: {  	s4 =	sadd.s32 $0x10, s4;
	s10 =	smov.u32 s9;
	s9 =	sadd.s32 $0x40, s9  }
0x92: {  	_ =	sdelay $0x1  }
0x93: {  	v16 =	vsel vm2, $0x0, v16  }
0x94: {  	v13 =	vsub.f32 v13, v16;
	v16 =	vsel vm2, $0x0, v17  }
0x95: {  	v14 =	vsub.f32 v14, v16;
	v16 =	vsel vm2, $0x0, v18  }
0x96: {  	v15 =	vsub.f32 v15, v16;
	[tilespmem:v11+s25+$0x0] =	vst.idx.add.f32.msk vm3, v13  }
0x97: {  	[tilespmem:v11+s26+$0x0] =	vst.idx.add.f32.msk vm3, v14  }
0x98: {  	s10 =	sshra.s32 s10, $0x2;
	[tilespmem:v11+s28+$0x0] =	vst.idx.add.f32.msk vm3, v15  }
0x99: {  	[tilespmem:v11+s29+$0x0] =	vst.idx.msk vm3, v12  }
0x9a: {  	v11 =	vld.idx.msk [tilespmem:v6+s10+$0x0 ss:$0x1], $0xffff;
	_ =	sdelay $0x5  }
0x9b: {  	v11 =	vadd.f32 $-4.595119950e+00, v11;
	_ =	sdelay $0x1  }
0x9c: {  	v11 =	vmul.f32 $1.442695020e+00, v11;
	_ =	sdelay $0x1  }
0x9d: {  	(erf) = vpow2.f32 v11;
	_ =	sdelay $0x8  }
0x9e: {  	v11 =	vpop (erf)  }
0x9f: {  	v11 =	vadd.f32 $1.000000000e+00, v11;
	_ =	sdelay $0x1  }
0xa0: {  	v12 =	vshra.s32 v11, $0x17;
	v11 =	vand.u32 $0x7FFFFF, v11  }
0xa1: {  	v12 =	vadd.s32 $0xFFFFFF81, v12;
	v11 =	vor.u32 $0x3F800000, v11  }
0xa2: {  	vm2 =	vgt.f32 v11, $1.414213540e+00;
	v13 =	vmul.f32 $5.000000000e-01, v11;
	v12 =	vcvt.s32.f32 v12  }
0xa3: {  	v14 =	vsel vm2, $0x3F800000, v0  }
0xa4: {  	v11 =	vsel vm2, v13, v11;
	v12 =	vadd.f32 v12, v14  }
0xa5: {  	v13 =	vadd.f32 $-1.000000000e+00, v11;
	_ =	sdelay $0x1  }
0xa6: {  	v11 =	vmul.f32 $1.144843550e-01, v13;
	_ =	sdelay $0x1  }
0xa7: {  	v11 =	vadd.f32 $-1.862769720e-01, v11;
	_ =	sdelay $0x1  }
0xa8: {  	v11 =	vmul.f32 v11, v13;
	_ =	sdelay $0x1  }
0xa9: {  	v11 =	vadd.f32 $2.061178540e-01, v11;
	_ =	sdelay $0x1  }
0xaa: {  	v11 =	vmul.f32 v11, v13;
	_ =	sdelay $0x1  }
0xab: {  	v11 =	vadd.f32 $-2.491120990e-01, v11;
	_ =	sdelay $0x1  }
0xac: {  	v11 =	vmul.f32 v11, v13;
	_ =	sdelay $0x1  }
0xad: {  	v11 =	vadd.f32 $3.330481350e-01, v11;
	_ =	sdelay $0x1  }
0xae: {  	v14 =	vor.u32 s4, v4;
	v11 =	vmul.f32 v11, v13  }
0xaf: {  	v15 =	vor.u32 s4, v2  }
0xb0: {  	v11 =	vadd.f32 $-5.000129340e-01, v11;
	_ =	sdelay $0x1  }
0xb1: {  	v11 =	vmul.f32 v11, v13  }
0xb2: {  	v14 =	vld.idx.msk [tilespmem:v14+s19+$0x0], $0xffff  }
0xb3: {  	v16 =	vadd.f32 $1.000003100e+00, v11;
	v15 =	vld.idx.msk [tilespmem:v15+s19+$0x0], $0xffff  }
0xb4: {  	v11 =	vld.idx.msk [tilespmem:v7+s10+$0x0 ss:$0x1], $0xffff  }
0xb5: {  	v13 =	vmul.f32 v16, v13;
	_ =	sdelay $0x1  }
0xb6: {  	v12 =	vmul.f32 $6.931471820e-01, v12;
	v13 =	vadd.f32 $3.342326950e-08, v13;
	_ =	sdelay $0x1  }
0xb7: {  	v12 =	vadd.f32 v13, v12;
	v13 =	vsel vm1, s22, v15  }
0xb8: {  	vm3 =	vne.s32 v14, v11;
	vm2 =	veq.s32 v11, v13;
	v13 =	vxor.u32 $0x80000000, v11  }
0xb9: {  	vm3 =	vmor vm3, vm0;
	v12 =	vmul.f32 $-5.000000000e-01, v12;
	v14 =	vsel vm2, $0x7FFFFFFF, v5;
	(xrf0) =	vmax.scan.msk.u32 $0xffff, v13  }
0xba: {  	(xrf0) =	vmax.scan.msk.u32 $0xffff, v14  }
0xbb: {  	(xrf2) =	vadd.scan.msk.f32 $0xffff, v12;
	_ =	sdelay $0x3  }
0xbc: {  	v13, _, _ =	vpop (xrf0)  }
0xbd: {  	v14, _, _ =	vpop (xrf0);
	(v2sf) =	vpush v13, $0xF  }
0xbe: {  	v13 =	vld.idx.msk [tilespmem:v8+s10+$0x0 ss:$0x1], $0xffff;
	v15 =	vxor.u32 $0x80000000, v14  }
0xbf: {  	v16 =	vld.idx.msk [tilespmem:v9+s10+$0x0 ss:$0x1], $0xffff;
	vm2 =	vlt.s32 v15, $0x1  }
0xc0: {  	v17 =	vld.idx.msk [tilespmem:v10+s10+$0x0 ss:$0x1], $0xffff;
	v15 =	vsel vm2, $0x1, v15  }
0xc1: {  	v18 =	vadd.s32 $0xFFFFFFFF, v15  }
0xc2: {  	v19, _, _ =	vpop (xrf2)  }
0xc3: {  	v19 =	vadd.f32 s20, v19  }
0xc4: {  	v13 =	vsub.f32 $0.0e+00, v13  }
0xc5: {  	v16 =	vsub.f32 $0.0e+00, v16;
	v12 =	vsub.f32 v19, v12;
	[tilespmem:$0xD000] =	vst v19;
	(xrf0) =	vmin.scan.msk.f32 $0xffff, v19  }
0xc6: {  	v13 =	vmul.f32 $1.442695020e+00, v13;
	v17 =	vsub.f32 $0.0e+00, v17;
	v18 =	vld.idx.msk [tilespmem:v18+s24+$0x0], $0xffff  }
0xc7: {  	v16 =	vmul.f32 $1.442695020e+00, v16  }
0xc8: {  	v17 =	vmul.f32 $1.442695020e+00, v17;
	(erf) = vpow2.f32 v13  }
0xc9: {  	(erf) = vpow2.f32 v16  }
0xca: {  	(erf) = vpow2.f32 v17  }
0xcb: {  	v13, _, _ =	vpop (xrf0)  }
0xcc: {  	vm4 =	vlt.s32 v14, $0x0;
	v14 =	vsel vm2, s20, v18;
	(v2sf) =	vpush v13, $0xF;
	s10 =	spop (v2sf)  }
0xcd: {  	v13 =	vnsel vm4, s21, v14;
	s22 =	sxor.u32 $0x80000000, s10  }
0xce: {  	v12 =	vsub.f32 v12, v13;
	v16 =	vsub.f32 v19, v13;
	(xrf0) =	vmin.scan.msk.f32 $0xffff, v13;
	_ =	sdelay $0x1  }
0xcf: {  	v17 =	vmul.f32 $1.442695020e+00, v12;
	v16 =	vmul.f32 $1.442695020e+00, v16  }
0xd0: {  	v14 =	vpop (erf)  }
0xd1: {  	v18 =	vadd.f32 $1.000000000e+00, v14;
	(erf) = vpow2.f32 v17;
	v12 =	vpop (erf)  }
0xd2: {  	v12 =	vadd.f32 $1.000000000e+00, v12;
	(erf) = vpow2.f32 v16;
	v13 =	vpop (erf)  }
0xd3: {  	v13 =	vadd.f32 $1.000000000e+00, v13;
	(erf) = vrcp.f32 v18;
	v14, _, _ =	vpop (xrf0)  }
0xd4: {  	(erf) = vrcp.f32 v12;
	(v2sf) =	vpush v14, $0xF  }
0xd5: {  	(erf) = vrcp.f32 v13;
	_ =	sdelay $0x4  }
0xd6: {  	v13 =	vpop (erf);
	s20 =	spop (v2sf)  }
0xd7: {  	v12 =	vpop (erf)  }
0xd8: {  	v13 =	vsub.f32 v13, v12;
	v14 =	vpop (erf)  }
0xd9: {  	v16 =	vpop (erf)  }
0xda: {  	v16 =	vmul.f32 v13, v16;
	v14 =	vmul.f32 v13, v14;
	v17 =	vpop (erf)  }
0xdb: {  	v13 =	vmul.f32 v13, v17  }
0xdc: {  	(xrf2) =	vadd.scan.msk.f32 $0xffff, v16;
	_ =	sdelay $0x2  }
0xdd: {  	s21 =	spop (v2sf)  }
0xde: {  	(xrf2) =	vadd.scan.msk.f32 $0xffff, v14;
	_ =	sdelay $0x2  }
0xdf: {  	(xrf2) =	vadd.scan.msk.f32 $0xffff, v13;
	_ =	sdelay $0x2  }
0xe0: {  	v13, _, _ =	vpop (xrf2);
	_ =	sdelay $0x3  }
0xe1: {  	v16 =	vadd.s32 $0xF, v15;
	v14, _, _ =	vpop (xrf2)  }
0xe2: {  	v17 =	vadd.s32 $0x1F, v15  }
0xe3: {  	v18 =	vadd.s32 $0x2F, v15;
	[tilespmem:$0xD020] =	vst v14  }
.Ltmp1:
0xe4: {  	[tilespmem:$0xD010] =	vst v13;
	v15, _, _ =	vpop (xrf2);
	(pc) =	sbr.rel @!p1 .LBB2_6-.Ltmp1, $4  }
0xe5: {  	[tilespmem:$0xD030] =	vst v15  }
0xe6: {  	v16 =	vld.idx.msk [tilespmem:v16+s24+$0x0], $0xffff  }
0xe7: {  	v17 =	vld.idx.msk [tilespmem:v17+s24+$0x0], $0xffff  }
0xe8: {  	v18 =	vld.idx.msk [tilespmem:v18+s24+$0x0], $0xffff  }
0xe9: {  	_ =	sdelay $0x1  }
0xea: {  	v6 =	vsel vm2, $0x0, v16  }
0xeb: {  	v6 =	vsub.f32 v13, v6;
	v7 =	vsel vm2, $0x0, v17  }
0xec: {  	v7 =	vsub.f32 v14, v7;
	v8 =	vsel vm2, $0x0, v18  }
0xed: {  	v8 =	vsub.f32 v15, v8;
	[tilespmem:v11+s25+$0x0] =	vst.idx.add.f32.msk vm3, v6  }
0xee: {  	[tilespmem:v11+s26+$0x0] =	vst.idx.add.f32.msk vm3, v7  }
0xef: {  	[tilespmem:v11+s28+$0x0] =	vst.idx.add.f32.msk vm3, v8  }
0xf0: {  	[tilespmem:v11+s29+$0x0] =	vst.idx.msk vm3, v12  }
0xf1: {  	p1 =	seq.s32 s0, $0x20  }
.Ltmp2:
0xf2: {  	_ = 	snop;
	(pc) =	sbr.rel @!p1 .LBB2_5-.Ltmp2, $2  }
0xf3: {  	_ =	sdelay $0x2  }
0xf4: {  	p0 =	por !p0, !p0  }
0xf5: {  	[hbm4b:s14+s3] =	stream.linear.scatter [tilespmem:s25], [sflag:$0x2], $0x2000, $0x38;
	[tilespmem:$0xD040] =	vst v63  }
0xf6: {  	_ =	swait.ge [sflag:s30], $0x2000  }
0xf7: {  	[sflag:s30] =	ssyncset.done $0x0  }
0xf8: {  	[sflag:s30] =	ssyncadd.s32 $0xFFFFE000  }
0xf9: {  	[hbm4b:s15+s3] =	stream.linear.scatter [tilespmem:s26], [sflag:$0x2], $0x2000, $0x38;
	[tilespmem:$0xD040] =	vst v63  }
0xfa: {  	_ =	swait.ge [sflag:s30], $0x2000  }
0xfb: {  	[sflag:s30] =	ssyncset.done $0x0  }
0xfc: {  	[sflag:s30] =	ssyncadd.s32 $0xFFFFE000  }
0xfd: {  	[hbm4b:s16+s3] =	stream.linear.scatter [tilespmem:s28], [sflag:$0x2], $0x2000, $0x38;
	[tilespmem:$0xD040] =	vst v63  }
0xfe: {  	s31 =	sadd.s32 $0x1, s31;
	_ =	swait.ge [sflag:s30], $0x2000  }
0xff: {  	p0 =	sne.s32 s31, s18;
	[sflag:s30] =	ssyncset.done $0x0  }
.Ltmp3:
0x100: {  	[sflag:s30] =	ssyncadd.s32 $0xFFFFE000;
	(pc) =	sbr.rel @p0 .LBB2_1-.Ltmp3, $4  }
0x101: {  	[hbm4b:s17+s3] =	stream.linear.scatter [tilespmem:s29], [sflag:$0x2], $0x2000, $0x38;
	[tilespmem:$0xD040] =	vst v63  }
0x102: {  	_ =	swait.ge [sflag:s30], $0x2000  }
0x103: {  	[sflag:s30] =	ssyncset.done $0x0  }
0x104: {  	[sflag:s30] =	ssyncadd.s32 $0xFFFFE000  }
0x105: {  	_ =	sfence.sel $0x180000  }
0x106: {  	[bflag:$0x0] =	sbarrier.arrive $0xFFFF  }
0x107: {  	_ =	strace $0x90000047  }
0x108: {  	s0 =	stileid.u32;
	[bflag:$0x2] =	sbarrier.arrive $0xFFFF  }
0x109: {  	p0 =	sne.s32 s0, $0x0;
	s0 =	rddreg [dreg:$0x3]  }
0x10a: {  	s0 =	sadd.s32 @!p0 $0x100000, s0  }
0x10b: {  	[sflag:s0] =	ssyncadd.tile.s32 @!p0 $0x1;
	_ =	shalt  }
.Lfunc_end2:
_tile_overlayer_lowered:
.L_overlay_start_2:
0x10c: {  	(tag) =	ssettag $0x2  }
0x10d: {  	s0 =	rddreg [dreg:$0x0];
	s2 =	stileid.u32  }
0x10e: {  	s1 =	rddreg [dreg:$0x1];
	p0 =	sne.s32 s2, $0x0  }
0x10f: {  	s3 =	rddreg [dreg:$0x2];
	[bflag:$0x3] =	sbarrier.arrive $0xFFFF;
	s2 =	simm.s32 @!p0 $0x1C02  }
0x110: {  	[timem:s3], [sflag:s2] =	dma.local @!p0 [hbm:s0], s1  }
0x111: {  	s0 =	simm.s32 @!p0 $0x2  }
0x112: {  	_ =	swait.ge @!p0 [sflag:s0], s1  }
0x113: {  	s1 =	ssub.s32 @!p0 $0x0, s1;
	[sflag:s0] =	ssyncset.done @!p0 $0x0  }
0x114: {  	[sflag:s0] =	ssyncadd.s32 @!p0 s1  }
0x115: {  	[bflag:$0x3] =	sbarrier.arrive $0xFFFF  }
0x116: {  	_ =	shalt  }

// kernel: kernel.7.cloned.1.call-start
scs
__scs_entry_jumppad:
0x0: {  	(pc) =	sbr.rel $0x88, $3  }
0x1: {  	(tag) =	ssettag $0x0;
	lr =	simm.s32 $0x1  }
0x2: {  	[smem:$0x3F9E] =	sst lr;
	_ =	strace $0xD0000000  }
0x3: {  	_ = 	snop  }
0x4: {  	_ = 	snop  }
0x5: {  	_ = 	snop  }
0x6: {  	_ = 	snop  }
0x7: {  	_ = 	snop  }
__scs_overlays_trampoline_lowered:
0x8: {  	[smem:$0x3FAD] =	sst s0  }
0x9: {  	[smem:$0x3FAE] =	sst s1  }
0xa: {  	[smem:$0x3FAF] =	sst s2  }
0xb: {  	[smem:$0x3FB0] =	sst s3  }
0xc: {  	[smem:$0x3FB1] =	sst s4  }
0xd: {  	[smem:$0x3FB2] =	sst s5  }
0xe: {  	[smem:$0x3FB3] =	sst s6  }
0xf: {  	[smem:$0x3FB4] =	sst s7  }
0x10: {  	[smem:$0x3FB5] =	sst s8  }
0x11: {  	[smem:$0x3FB6] =	sst s9;
	s0 =	simm.s32 @!p0 $0x0  }
0x12: {  	s1 =	sld [smem:$0x3F9C];
	s0 =	simm.s32 @p0 $0x1  }
0x13: {  	[smem:$0x3FB7] =	sst s0;
	s0 =	simm.s32 @!p1 $0x0  }
0x14: {  	s2 =	sld [smem:$0x3F9B];
	s0 =	simm.s32 @p1 $0x1  }
0x15: {  	[smem:$0x3FB8] =	sst s0;
	s0 =	simm.s32 @!p2 $0x0  }
0x16: {  	s3 =	sld [smem:$0x3FDB];
	s0 =	simm.s32 @p2 $0x1  }
0x17: {  	s4 =	simm.s32 $0x1BF5;
	[smem:$0x3FBA] =	sst s0  }
0x18: {  	s0 =	sld [smem:$0x3F9D];
	_ =	swait.ge [sflag:s4], $0x0  }
0x19: {  	s7 =	sld [smem:$0x3F9E]  }
0x1a: {  	s8 =	sadd.s32 $0xFFFFE003, lr  }
0x1b: {  	s9 =	sadd.s32 $0xFFFFFEF7, lr;
	s5 =	simm.s32 $0xFFFFFFFF;
	p2 =	slt.u32 s8, $0xFFFFF086  }
0x1c: {  	p1 =	slt.u32 s9, $0xF7A;
	s5 =	simm.s32 @!p2 $0x0  }
0x1d: {  	s5 =	simm.s32 @p1 $0x1;
	p0 =	seq.s32 s7, s2  }
0x1e: {  	s7 =	smul.u32 @!p0 $0xF7A, s2;
	p2 =	seq.s32 @!p0 s5, $0x0  }
0x1f: {  	s9 =	smul.u32 $0xF7A, s1;
	s8 =	simm.s32 @!p0 $0x1BF5;
	p2 =	por !p2, p0  }
0x20: {  	[sflag:s8] =	ssyncset.s32 @!p0 $0xFFFFF086;
	s6 =	sadd.s32 @!p0 s3, s7;
	s7 =	simm.s32 @!p0 $0x108  }
0x21: {  	s3 =	sadd.s32 s3, s9;
	s6 =	sadd.s32 @!p0 $0x88, s6;
	s7 =	simm.s32 @p2 $0x1082  }
0x22: {  	[simem:s7], [sflag:s8] =	dma.local @!p0 [hbm:s6], $0xF7A  }
0x23: {  	s9 =	sor.u32 $0xD0000000, s2;
	s6 =	simm.s32 $0x108;
	_ =	swait.ge @!p0 [sflag:s8], $0x0  }
0x24: {  	s3 =	sadd.s32 $0x88, s3;
	s6 =	simm.s32 @!p1 $0x1082;
	[sflag:s4] =	ssyncset.s32 $0xFFFFF086  }
0x25: {  	[simem:s6], [sflag:s4] =	dma.local [hbm:s3], $0xF7A  }
0x26: {  	[smem:$0x3F9E] =	sst s1;
	(tag) =	ssettag s2;
	_ =	strace s9  }
0x27: {  	s1 =	sld [smem:$0x3FAE]  }
0x28: {  	s2 =	sld [smem:$0x3FAF]  }
0x29: {  	s4 =	sld [smem:$0x3FB1]  }
0x2a: {  	p0 =	seq.s32 s5, $0x0;
	s5 =	sld [smem:$0x3FB2]  }
0x2b: {  	s6 =	sld [smem:$0x3FB3]  }
0x2c: {  	s7 =	sld [smem:$0x3FB4]  }
0x2d: {  	s3 =	simm.s32 $0x108;
	s8 =	sld [smem:$0x3FB5]  }
0x2e: {  	s3 =	simm.s32 @!p0 $0x1082;
	s9 =	sld [smem:$0x3FB6]  }
0x2f: {  	lr =	sadd.s32 s0, s3;
	s0 =	sld [smem:$0x3FAD]  }
0x30: {  	s3 =	sld [smem:$0x3FB0]  }
0x31: {  	[smem:$0x3FB9] =	sst s10  }
0x32: {  	s10 =	sld [smem:$0x3FB7];
	_ =	sdelay $0x3  }
0x33: {  	p0 =	seq.s32 s10, $0x1;
	s10 =	sld [smem:$0x3FB9];
	_ =	sdelay $0x3  }
0x34: {  	[smem:$0x3FB9] =	sst s10  }
0x35: {  	s10 =	sld [smem:$0x3FB8];
	_ =	sdelay $0x3  }
0x36: {  	p1 =	seq.s32 s10, $0x1;
	s10 =	sld [smem:$0x3FB9];
	_ =	sdelay $0x3  }
0x37: {  	[smem:$0x3FB9] =	sst s10  }
0x38: {  	s10 =	sld [smem:$0x3FBA]  }
0x39: {  	_ = 	snop;
	(pc) =	sbr.ind lr, $3  }
0x3a: {  	_ = 	snop  }
0x3b: {  	_ = 	snop  }
0x3c: {  	p2 =	seq.s32 s10, $0x1;
	s10 =	sld [smem:$0x3FB9]  }
0x3d: {  	_ =	shalt  }
0x3e: {  	_ =	shalt  }
0x3f: {  	_ =	shalt  }
0x40: {  	_ =	shalt  }
0x41: {  	_ =	shalt  }
0x42: {  	_ =	shalt  }
0x43: {  	_ =	shalt  }
0x44: {  	_ =	shalt  }
0x45: {  	_ =	shalt  }
0x46: {  	_ =	shalt  }
0x47: {  	_ =	shalt  }
0x48: {  	_ =	shalt  }
0x49: {  	_ =	shalt  }
0x4a: {  	_ =	shalt  }
0x4b: {  	_ =	shalt  }
0x4c: {  	_ =	shalt  }
0x4d: {  	_ =	shalt  }
0x4e: {  	_ =	shalt  }
0x4f: {  	_ =	shalt  }
0x50: {  	_ =	shalt  }
0x51: {  	_ =	shalt  }
0x52: {  	_ =	shalt  }
0x53: {  	_ =	shalt  }
0x54: {  	_ =	shalt  }
0x55: {  	_ =	shalt  }
0x56: {  	_ =	shalt  }
0x57: {  	_ =	shalt  }
0x58: {  	_ =	shalt  }
0x59: {  	_ =	shalt  }
0x5a: {  	_ =	shalt  }
0x5b: {  	_ =	shalt  }
0x5c: {  	_ =	shalt  }
0x5d: {  	_ =	shalt  }
0x5e: {  	_ =	shalt  }
0x5f: {  	_ =	shalt  }
0x60: {  	_ =	shalt  }
0x61: {  	_ =	shalt  }
0x62: {  	_ =	shalt  }
0x63: {  	_ =	shalt  }
0x64: {  	_ =	shalt  }
0x65: {  	_ =	shalt  }
0x66: {  	_ =	shalt  }
0x67: {  	_ =	shalt  }
0x68: {  	_ =	shalt  }
0x69: {  	_ =	shalt  }
0x6a: {  	_ =	shalt  }
0x6b: {  	_ =	shalt  }
0x6c: {  	_ =	shalt  }
0x6d: {  	_ =	shalt  }
0x6e: {  	_ =	shalt  }
0x6f: {  	_ =	shalt  }
0x70: {  	_ =	shalt  }
0x71: {  	_ =	shalt  }
0x72: {  	_ =	shalt  }
0x73: {  	_ =	shalt  }
0x74: {  	_ =	shalt  }
0x75: {  	_ =	shalt  }
0x76: {  	_ =	shalt  }
0x77: {  	_ =	shalt  }
0x78: {  	_ =	shalt  }
0x79: {  	_ =	shalt  }
0x7a: {  	_ =	shalt  }
0x7b: {  	_ =	shalt  }
0x7c: {  	_ =	shalt  }
0x7d: {  	_ =	shalt  }
0x7e: {  	_ =	shalt  }
0x7f: {  	_ =	shalt  }
0x80: {  	_ =	shalt  }
0x81: {  	_ =	shalt  }
0x82: {  	_ =	shalt  }
0x83: {  	_ =	shalt  }
0x84: {  	_ =	shalt  }
0x85: {  	_ =	shalt  }
0x86: {  	_ =	shalt  }
0x87: {  	_ =	shalt  }
.Lfunc_end0:
.L_simem_size_0:
called_computation.1_lowered:
.L_overlay_start_0:
0x88: {  	s2 =	sld [smem:$0x3FD9]  }
0x89: {  	s3 =	sld [smem:$0x3FFE];
	_ =	sdelay $0x1  }
0x8a: {  	s1 =	srdreg.scid  }
0x8b: {  	s0 =	sand.u32 $0x1, s1  }
0x8c: {  	s16 =	sshll.u32 s0, $0xA;
	s2 =	sadd.s32 s3, s2  }
0x8d: {  	s2 =	sadd.s32 s2, s16  }
0x8e: {  	[smem:$0x3FC5] =	sst s2  }
0x8f: {  	_ = 	snop  }
0x90: {  	(tm) =	ssettm $0x1  }
0x91: {  	s17 =	sld [smem:$0x3FFB];
	_ =	sdelay $0x3  }
0x92: {  	_ =	strace s17  }
0x93: {  	s2 =	sld [smem:$0x3FFC];
	_ =	sdelay $0x3  }
0x94: {  	_ =	strace s2  }
0x95: {  	s2 =	sld [smem:$0x3FFD];
	_ =	sdelay $0x3  }
0x96: {  	_ =	strace s2  }
0x97: {  	_ =	strace $0x8FFFFFFF  }
0x98: {  	s18 =	sld [smem:$0x3FDB];
	_ =	sdelay $0x1  }
0x99: {  	s19 =	simm.s32 $_scs_section_size  }
0x9a: {  	s4 =	simm.s32 $_size__tile_overlayer_lowered;
	s5 =	simm.s32 $_tile_overlayer_lowered  }
0x9b: {  	s22 =	simm.s32 $0x1BFF;
	s21 =	sshll.u32 s5, $0x1;
	s2 =	sadd.s32 s19, s18  }
0x9c: {  	s6 =	simm.s32 $0x0;
	s20 =	sshll.u32 s4, $0x1;
	s4 =	sadd.s32 s21, s2  }
0x9d: {  	[timem:s6], [sflag:s22] =	dma.local [hbm:s4], s20  }
0x9e: {  	_ =	swait.ge [sflag:s22], s20  }
0x9f: {  	s3 =	ssub.s32 $0x0, s20;
	[sflag:s22] =	ssyncset.done $0x0  }
0xa0: {  	[sflag:s22] =	ssyncadd.s32 s3;
	_ =	sdelay $0x1  }
0xa1: {  	s23 =	simm.s32 $0x1B8B  }
0xa2: {  	_ =	swait.ge [sflag:s23], $0x1  }
0xa3: {  	[sflag:s23] =	ssyncset.done $0x0  }
0xa4: {  	s25 =	simm.s32 $0x1B8E;
	s24 =	sld [smem:$0x3FFE];
	[sflag:s23] =	ssyncadd.s32 $0xFFFFFFFF  }
0xa5: {  	s26 =	simm.s32 $execute0_lowered;
	[smem:$0x3FD2] =	sst s25  }
0xa6: {  	s4 =	sshll.u32 s26, $0x1;
	_ =	strace $0x80000049;
	[dreg:$0x1] =	wrdreg $0xFFFFFFFF  }
0xa7: {  	s28 =	simm.s32 $_size_execute0_lowered;
	s2 =	sadd.s32 s2, s4;
	[dreg:$0x0] =	wrdreg $0x0  }
0xa8: {  	s4 =	sshll.u32 s28, $0x1;
	[dreg:$0x2] =	wrdreg s2  }
0xa9: {  	[dreg:$0x3] =	wrdreg s4  }
0xaa: {  	[dreg:$0x4] =	wrdreg $0xC0  }
0xab: {  	_ =	task [dreg:s6], $0x5FFFF  }
0xac: {  	[dreg:$0x1] =	wrdreg $0xFFFFFFFF  }
0xad: {  	[dreg:$0x0] =	wrdreg $0x60  }
0xae: {  	[dreg:$0x2] =	wrdreg s24  }
0xaf: {  	[dreg:$0x3] =	wrdreg $0x9  }
0xb0: {  	_ =	task.clear_ibuf [dreg:s6], $0x4FFFF;
	_ =	strace $0x90000049  }
0xb1: {  	s29 =	simm.s32 $0x9;
	_ =	strace $0x8000004B  }
0xb2: {  	_ =	swait.ge [sflag:s29], $0x1  }
0xb3: {  	[sflag:s29] =	ssyncadd.s32 $0xFFFFFFFF  }
0xb4: {  	_ =	strace $0x9000004B  }
0xb5: {  	_ =	sfence  }
0xb6: {  	s30 =	sld [smem:$0x0];
	_ =	sdelay $0x2  }
0xb7: {  	s31 =	sshll.u32 s1, $0xD;
	s1 =	sshrl.u32 s1, $0x2  }
0xb8: {  	s3 =	sand.u32 $0x4000, s31;
	s1 =	sadd.s32 s1, s30  }
0xb9: {  	s0 =	sor.u32 s3, s0;
	s1 =	sshll.u32 s1, $0x11  }
0xba: {  	s0 =	sor.u32 s1, s0  }
0xbb: {  	s0 =	sadd.s32 $0x8F2B, s0  }
0xbc: {  	[sflag:s0] =	ssyncadd.remote.s32 $0x1  }
0xbd: {  	_ =	sfence.sel $0xFFFF  }
0xbe: {  	[dreg:$0x0] =	wrdreg $0xFFFFFFFF;
	(pc) =	sbr.abs _section_cstart, $3  }
0xbf: {  	[dreg:$0x1] =	wrdreg $0xFFFFFFFF  }
0xc0: {  	_ =	task.clear_ibuf [dreg:s6], $0x2FFFF;
	_ =	strace $0x9FFFFFFF  }
0xc1: {  	(tm) =	ssettm $0x7FFFFFFF  }
tec
execute0_lowered:
.L_overlay_start_1:
0x0: {  	(tag) =	ssettag $0x1  }
0x1: {  	s3 =	rddreg [dreg:$0x0];
	s2 =	srdreg.scid  }
0x2: {  	s0 =	rddreg [dreg:$0x1];
	s1 =	stileid.u32;
	s7 =	simm.s32 $0x2000  }
0x3: {  	s8 =	simm.s32 $0x1;
	s9 =	simm.s32 $0x8000;
	s10 =	simm.s32 $0x0  }
0x4: {  	s4 =	sand.u32 $0x1, s2;
	s2 =	simm.s32 $0x0;
	s6 =	sshll.u32 s1, $0x5  }
0x5: {  	s5 =	sshll.u32 s4, $0x9;
	[smem:$0x7FF] =	sst s2;
	s4 =	ssub.s32 $0x2, s4  }
0x6: {  	s5 =	sor.u32 s6, s5;
	_ =	strace $0x8000004A;
	s30 =	sshrl.u32 s4, $0x1  }
0x7: {  	s6 =	simm.s32 $0x100;
	s5 =	sadd.s32 s5, s3;
	s31 =	ssub.s32 s4, s30  }
0x8: {  	s3 =	sadd.s32 $0xC0A00, s5;
	s4 =	sadd.s32 $0xA00, s5;
	s5 =	smax.u32 s31, $0x1  }
.LBB2_1:
0x9: {  	[tilespmem:s2], [sflag:$0x1] =	stream.strided.gather [hbm4b:s3+s6], $0x8000, s7, s6, $0x38;
	[tilespmem:$0x8300] =	vst v63  }
0xa: {  	_ =	swait.ge [sflag:s8], $0x8000  }
0xb: {  	[sflag:s8] =	ssyncset.done $0x0  }
0xc: {  	s11 =	simm.s32 $0x200;
	s12 =	simm.s32 $0x0;
	[sflag:s8] =	ssyncadd.s32 $0xFFFF8000  }
.LBB2_2:
0xd: {  	v2 =	vmov s11;
	_ =	sdelay $0x3  }
0xe: {  	s15 =	simm.s32 $0x0  }
0xf: {  	v1 =	vld.idx.msk [tilespmem:v2+s15+$0x0 ss:$0x1], $0xffff  }
0x10: {  	v4 =	vld.idx.msk [tilespmem:v2+s15+$0xFFFFFE00 ss:$0x1], $0xffff  }
0x11: {  	v0 =	vimm.f32 $0.0e+00;
	v5 =	vld.idx.msk [tilespmem:v2+s15+$0xFFFFFF00 ss:$0x1], $0xffff  }
0x12: {  	s13 =	sshll.u32 s12, $0x4;
	v3 =	vimm.f32 $1.000000000e+00;
	s14 =	simm.s32 $0x1000;
	v8 =	vimm.f32 $0.0e+00;
	v6 =	vimm.f32 $0.0e+00;
	v7 =	vld.idx.msk [tilespmem:v2+s15+$0x100 ss:$0x1], $0xffff  }
.LBB2_3:
0x13: {  	s15 =	sshra.s32 s14, $0x2;
	p0 =	sne.s32 s14, $0x1F000;
	s14 =	sadd.s32 $0x1000, s14  }
.Ltmp0:
0x14: {  	v9 =	vmul.f32 v1, v3;
	v1 =	vld.idx.msk [tilespmem:v2+s15+$0x0 ss:$0x1], $0xffff;
	(pc) =	sbr.rel @p0 .LBB2_3-.Ltmp0, $4  }
0x15: {  	v10 =	vmul.f32 v4, v3;
	v4 =	vld.idx.msk [tilespmem:v2+s15+$0xFFFFFE00 ss:$0x1], $0xffff  }
0x16: {  	v11 =	vmul.f32 v5, v3;
	v5 =	vld.idx.msk [tilespmem:v2+s15+$0xFFFFFF00 ss:$0x1], $0xffff;
	v0 =	vadd.f32 v9, v0  }
0x17: {  	v8 =	vadd.f32 v10, v8  }
0x18: {  	v6 =	vadd.f32 v11, v6;
	v3 =	vmul.f32 v7, v3;
	v7 =	vld.idx.msk [tilespmem:v2+s15+$0x100 ss:$0x1], $0xffff  }
0x19: {  	_ =	sdelay $0x1  }
0x1a: {  	v2 =	vmul.f32 v4, v3  }
0x1b: {  	v60 =	vmul.f32 v5, v3  }
0x1c: {  	s12 =	sadd.s32 $0x1, s12;
	v1 =	vmul.f32 v1, v3;
	v2 =	vadd.f32 v2, v8;
	v61 =	vmul.f32 v7, v3  }
0x1d: {  	p0 =	sne.s32 s12, $0x10;
	v4 =	vadd.f32 v60, v6  }
.Ltmp1:
0x1e: {  	v0 =	vadd.f32 v1, v0;
	v62 =	vadd.f32 v61, v2;
	(pc) =	sbr.rel @p0 .LBB2_2-.Ltmp1, $4  }
0x1f: {  	v63 =	vadd.f32 v61, v4  }
0x20: {  	v0 =	vadd.f32 v61, v0;
	[tilespmem:s13+$0x8000] =	vst v62  }
0x21: {  	[tilespmem:s13+$0x8100] =	vst v63  }
0x22: {  	s11 =	sadd.s32 $0x10, s11;
	[tilespmem:s13+$0x8200] =	vst v0  }
0x23: {  	s10 =	sadd.s32 $0x1, s10  }
0x24: {  	p0 =	sne.s32 s10, s5  }
.Ltmp2:
0x25: {  	_ = 	snop;
	(pc) =	sbr.rel @p0 .LBB2_1-.Ltmp2, $4  }
0x26: {  	[hbm4b:s4+s6] =	stream.strided.scatter [tilespmem:s9], [sflag:$0x1], $0x300, s7, s6, $0x38;
	[tilespmem:$0x8300] =	vst v63  }
0x27: {  	_ =	swait.ge [sflag:s8], $0x300  }
0x28: {  	[sflag:s8] =	ssyncset.done $0x0  }
0x29: {  	[sflag:s8] =	ssyncadd.s32 $0xFFFFFD00  }
0x2a: {  	_ =	sfence.sel $0x180000  }
0x2b: {  	[bflag:$0x0] =	sbarrier.arrive $0xFFFF  }
0x2c: {  	p0 =	sne.s32 s1, $0x0;
	_ =	strace $0x9000004A  }
0x2d: {  	s0 =	sadd.s32 @!p0 $0x100000, s0;
	[bflag:$0x2] =	sbarrier.arrive $0xFFFF  }
0x2e: {  	[sflag:s0] =	ssyncadd.tile.s32 @!p0 $0x1;
	_ =	shalt  }
.Lfunc_end2:
_tile_overlayer_lowered:
.L_overlay_start_2:
0x2f: {  	(tag) =	ssettag $0x2  }
0x30: {  	s0 =	rddreg [dreg:$0x0];
	s2 =	stileid.u32  }
0x31: {  	s1 =	rddreg [dreg:$0x1];
	p0 =	sne.s32 s2, $0x0  }
0x32: {  	s3 =	rddreg [dreg:$0x2];
	[bflag:$0x3] =	sbarrier.arrive $0xFFFF;
	s2 =	simm.s32 @!p0 $0x1C01  }
0x33: {  	[timem:s3], [sflag:s2] =	dma.local @!p0 [hbm:s0], s1  }
0x34: {  	s0 =	simm.s32 @!p0 $0x1  }
0x35: {  	_ =	swait.ge @!p0 [sflag:s0], s1  }
0x36: {  	s1 =	ssub.s32 @!p0 $0x0, s1;
	[sflag:s0] =	ssyncset.done @!p0 $0x0  }
0x37: {  	[sflag:s0] =	ssyncadd.s32 @!p0 s1  }
0x38: {  	[bflag:$0x3] =	sbarrier.arrive $0xFFFF  }
0x39: {  	_ =	shalt  }

</sc_bundles>
